<compile_context>
chip_gen: v7x
topology: tpu7x:2x2x1
jax: 0.10.2.dev20260603
libtpu: 0.0.44.dev20260713+nightly
codegen_flags: <defaults>
</compile_context>

<pallas_src>
import functools

import jax
import jax.numpy as jnp
from jax import lax
from jax.experimental import pallas as pl
from jax.experimental.pallas import tpu as pltpu
from jax.experimental.pallas import tpu_sc as plsc

N = 10000
E = 320000
D = 128
G = 64
OUT = 96
C = 5
EPS = 1e-5

NC, NS = 2, 16
NW = NC * NS
CH = 64
NBUF = 4
EPW = 10240
NCHW = EPW // CH
TAILE = E - (NW - 1) * EPW
TAILC = TAILE // CH
RB = 40
NRB = N // RB
RPB = (NRB + NS - 1) // NS

BR = 1000
NB = N // BR


def _sc_scatter(x, src1, dst1):
  mesh = plsc.VectorSubcoreMesh(core_axis_name="c", subcore_axis_name="s")

  @functools.partial(
      pl.kernel,
      out_type=jax.ShapeDtypeStruct((NC, N, D), jnp.float32),
      mesh=mesh,
      scratch_types=[
          [pltpu.VMEM((CH, D), jnp.float32) for _ in range(NBUF)],
          pltpu.VMEM((EPW,), jnp.int32),
          [pltpu.VMEM((CH,), jnp.int32) for _ in range(NBUF)],
          pltpu.VMEM_SHARED((N, D), jnp.float32),
          [pltpu.SemaphoreType.DMA for _ in range(NBUF)],
          [pltpu.SemaphoreType.DMA for _ in range(NBUF)],
      ],
  )
  def k(x_hbm, src_hbm, dst_hbm, agg_hbm, rows, src_w, dst,
        acc, semg, semd):
    cid = lax.axis_index("c")
    sid = lax.axis_index("s")
    w = cid * NS + sid
    ebase = w * EPW
    nch_w = jnp.where(w == NW - 1, TAILC, NCHW)

    @pl.when(w < NW - 1)
    def _():
      pltpu.async_copy(src_hbm.at[pl.ds(ebase, EPW)], src_w, semg[0])

    @pl.when(w == NW - 1)
    def _():
      pltpu.async_copy(src_hbm.at[pl.ds((NW - 1) * EPW, TAILE)],
                       src_w.at[pl.ds(0, TAILE)], semg[0])

    zero16 = jnp.zeros((16,), jnp.float32)

    def zrow(r, carry):
      for cc in range(D // 16):
        rows[0][r, pl.ds(cc * 16, 16)] = zero16
      return carry

    lax.fori_loop(0, CH, zrow, 0)

    def zblk(issue):
      def body(j, carry):
        blk = sid * RPB + j

        @pl.when(blk < NRB)
        def _():
          cp = pltpu.make_async_copy(rows[0].at[pl.ds(0, RB)],
                                     acc.at[pl.ds(blk * RB, RB)], semd[0])
          cp.start() if issue else cp.wait()

        return carry

      lax.fori_loop(0, RPB, body, 0)

    zblk(True)
    zblk(False)

    @pl.when(w < NW - 1)
    def _():
      pltpu.make_async_copy(src_hbm.at[pl.ds(ebase, EPW)], src_w,
                            semg[0]).wait()

    @pl.when(w == NW - 1)
    def _():
      pltpu.make_async_copy(src_hbm.at[pl.ds((NW - 1) * EPW, TAILE)],
                            src_w.at[pl.ds(0, TAILE)], semg[0]).wait()

    plsc.subcore_barrier()

    def issue_in(c, b):
      pltpu.async_copy(x_hbm.at[src_w.at[pl.ds(c * CH, CH)]], rows[b], semg[b])
      pltpu.async_copy(dst_hbm.at[pl.ds(ebase + c * CH, CH)], dst[b], semd[b])

    def wait_in(c, b):
      pltpu.make_async_copy(x_hbm.at[src_w.at[pl.ds(c * CH, CH)]], rows[b],
                            semg[b]).wait()
      pltpu.make_async_copy(dst_hbm.at[pl.ds(ebase + c * CH, CH)], dst[b],
                            semd[b]).wait()

    for b in range(NBUF):
      issue_in(b, b)

    def pbody(t, carry):
      for b in range(NBUF):
        c = t * NBUF + b
        wait_in(c, b)
        pltpu.sync_copy(rows[b], acc.at[dst[b]], add=True)

        @pl.when(c + NBUF < nch_w)
        def _(b=b, c=c):
          issue_in(c + NBUF, b)

      return carry

    lax.fori_loop(0, nch_w // NBUF, pbody, 0)
    plsc.subcore_barrier()

    def cblk(issue):
      def body(j, carry):
        blk = sid * RPB + j

        @pl.when(blk < NRB)
        def _():
          cp = pltpu.make_async_copy(acc.at[pl.ds(blk * RB, RB)],
                                     agg_hbm.at[cid, pl.ds(blk * RB, RB)],
                                     semd[0])
          cp.start() if issue else cp.wait()

        return carry

      lax.fori_loop(0, RPB, body, 0)

    cblk(True)
    cblk(False)

  return k(x, src1, dst1)


def _tc_xw_body(x_ref, wo_ref, bc_ref, o_ref):
  wo = wo_ref[0] + wo_ref[1] + wo_ref[2] + wo_ref[3] + wo_ref[4]
  bsum = jnp.sum(bc_ref[...], axis=0, keepdims=True)
  o_ref[...] = (jnp.dot(x_ref[...], wo, preferred_element_type=jnp.float32)
                + bsum)


def _tc_xw(x, W_root, b_conv):
  return pl.pallas_call(
      _tc_xw_body,
      grid=(NB,),
      in_specs=[
          pl.BlockSpec((BR, D), lambda i: (i, 0)),
          pl.BlockSpec((C, D, D), lambda i: (0, 0, 0)),
          pl.BlockSpec((C, D), lambda i: (0, 0)),
      ],
      out_specs=pl.BlockSpec((BR, D), lambda i: (i, 0)),
      out_shape=jax.ShapeDtypeStruct((N, D), jnp.float32),
  )(x, W_root, b_conv)


def _tc_body(agg_ref, x_ref, b_ref, wr_ref, wo_ref, bc_ref, bw_ref, bb_ref,
             cw_ref, cb_ref, o_ref, sum_ref, ssq_ref, smax_ref):
  i = pl.program_id(0)

  @pl.when(i == 0)
  def _():
    sum_ref[...] = jnp.zeros_like(sum_ref)
    ssq_ref[...] = jnp.zeros_like(ssq_ref)
    smax_ref[...] = jnp.full_like(smax_ref, -1e30)

  wr = wr_ref[0] + wr_ref[1] + wr_ref[2] + wr_ref[3] + wr_ref[4]
  wo = wo_ref[0] + wo_ref[1] + wo_ref[2] + wo_ref[3] + wo_ref[4]
  bsum = jnp.sum(bc_ref[...], axis=0, keepdims=True)
  a = agg_ref[0] + agg_ref[1]
  out = (jnp.dot(a, wr, preferred_element_type=jnp.float32)
         + jnp.dot(x_ref[...], wo, preferred_element_type=jnp.float32)
         + bsum)
  sum_ref[...] += jnp.sum(out, axis=0, keepdims=True)
  ssq_ref[...] += jnp.sum(out * out, axis=0, keepdims=True)

  bcol = b_ref[...]
  g_lo = b_ref[0, 0]
  g_hi = b_ref[BR - 1, 0]

  def seg(g, carry):
    m = bcol == g
    mx = jnp.max(jnp.where(m, out, -1e30), axis=0, keepdims=True)
    smax_ref[pl.ds(g, 1), :] = jnp.maximum(smax_ref[pl.ds(g, 1), :], mx)
    return carry

  lax.fori_loop(g_lo, g_hi + 1, seg, 0)

  @pl.when(i == NB - 1)
  def _():
    mean = sum_ref[...] / N
    var = ssq_ref[...] / N - mean * mean
    scale = bw_ref[...] * lax.rsqrt(var + EPS)
    shift = bb_ref[...] - mean * scale
    gext = smax_ref[...] * scale + shift
    gr = jnp.maximum(gext, 0.0)
    o_ref[...] = (jnp.dot(gr, cw_ref[...], preferred_element_type=jnp.float32)
                  + cb_ref[...])


def _tc_post(agg2, x, batch_col, W_rel, W_root, b_conv, bn_w2, bn_b2,
             cls_W, cls_b2):
  return pl.pallas_call(
      _tc_body,
      grid=(NB,),
      in_specs=[
          pl.BlockSpec((NC, BR, D), lambda i: (0, i, 0)),
          pl.BlockSpec((BR, D), lambda i: (i, 0)),
          pl.BlockSpec((BR, 1), lambda i: (i, 0)),
          pl.BlockSpec((C, D, D), lambda i: (0, 0, 0)),
          pl.BlockSpec((C, D, D), lambda i: (0, 0, 0)),
          pl.BlockSpec((C, D), lambda i: (0, 0)),
          pl.BlockSpec((1, D), lambda i: (0, 0)),
          pl.BlockSpec((1, D), lambda i: (0, 0)),
          pl.BlockSpec((D, OUT), lambda i: (0, 0)),
          pl.BlockSpec((1, OUT), lambda i: (0, 0)),
      ],
      out_specs=pl.BlockSpec((G, OUT), lambda i: (0, 0)),
      out_shape=jax.ShapeDtypeStruct((G, OUT), jnp.float32),
      scratch_shapes=[
          pltpu.VMEM((1, D), jnp.float32),
          pltpu.VMEM((1, D), jnp.float32),
          pltpu.VMEM((G, D), jnp.float32),
      ],
  )(agg2, x, batch_col, W_rel, W_root, b_conv, bn_w2, bn_b2, cls_W, cls_b2)


def kernel(x, edge_index, batch, i, W_rel, W_root, b_conv, bn_w, bn_b,
           cls_W, cls_b):
  del i
  agg2 = _sc_scatter(x, edge_index[0], edge_index[1])
  return _tc_post(agg2, x, batch.reshape(N, 1), W_rel, W_root, b_conv,
                  bn_w.reshape(1, D), bn_b.reshape(1, D), cls_W,
                  cls_b.reshape(1, OUT))

# --- scband reference (transcript-rebuilt; emitter-appended) ---
"""Pipeline reference for scband-graph-dense-net-25202868093188 (READ-ONLY COPY).

The authoritative reference and input builder live on the scoring server;
editing this copy changes nothing except your own understanding.
"""

import jax, jax.numpy as jnp
import numpy as np

N = 10000
E = 320000
D = 128
G = 64
OUT = 96
C = 5
EPS = 1e-5


def setup_inputs(seed: int = 0) -> dict:
    key = jax.random.key(seed)
    ks = jax.random.split(key, 8)
    x = jax.random.normal(ks[0], (N, D), dtype=jnp.float32)
    edge_index = jax.random.randint(ks[1], (2, E), 0, N, dtype=jnp.int32)
    batch = jnp.sort(jax.random.randint(ks[2], (N,), 0, G, dtype=jnp.int32))
    sc = 1.0 / np.sqrt(D)
    W_rel = jax.random.normal(ks[3], (C, D, D), dtype=jnp.float32) * sc
    W_root = jax.random.normal(ks[4], (C, D, D), dtype=jnp.float32) * sc
    b_conv = jax.random.normal(ks[5], (C, D), dtype=jnp.float32) * sc
    bn_w = jnp.ones((D,), dtype=jnp.float32)
    bn_b = jnp.zeros((D,), dtype=jnp.float32)
    cls_W = jax.random.normal(ks[6], (D, OUT), dtype=jnp.float32) * sc
    cls_b = jax.random.normal(ks[7], (OUT,), dtype=jnp.float32) * sc
    return {"x": x, "edge_index": edge_index, "batch": batch, "i": 0,
            "W_rel": W_rel, "W_root": W_root, "b_conv": b_conv,
            "bn_w": bn_w, "bn_b": bn_b, "cls_W": cls_W, "cls_b": cls_b}


def reference(x, edge_index, batch, i, W_rel, W_root, b_conv, bn_w, bn_b, cls_W, cls_b):
    src = edge_index[0]
    dst = edge_index[1]
    # GraphConv (aggr='add'): out_i = W_rel @ sum_{j in N(i)} x_j + b + W_root @ x_i
    # aggregation is linear-op-after-aggregate, so one scatter-add suffices for all 5 convs
    agg = jnp.zeros_like(x).at[dst].add(x[src])
    out = jnp.zeros_like(x)
    for c in range(C):
        out = out + agg @ W_rel[c] + b_conv[c] + x @ W_root[c]
    # NodeLevelBatchNorm (training mode: batch statistics over all nodes)
    mean = jnp.mean(out, axis=0)
    var = jnp.var(out, axis=0)
    h = (out - mean) / jnp.sqrt(var + EPS) * bn_w + bn_b
    # global_max_pool per graph
    g = jax.ops.segment_max(h, batch, num_segments=G)
    g = jax.nn.relu(g)
    # i=0 < dropout_late//2 -> no dropout, straight to classifier
    return g @ cls_W + cls_b

if __name__ == "__main__":
    import jax
    _d = setup_inputs()
    print(jax.jit(kernel)(*tuple(_d.values())))

</pallas_src>

<mosaic_0001>
#map = affine_map<(d0, d1) -> (0, 0)>
#map1 = affine_map<(d0, d1) -> (0)>
#map2 = affine_map<(d0, d1) -> (0, 0, 0)>
module attributes {stable_mosaic.version = 14 : i64} {
  func.func @k(%arg0: i32, %arg1: i32, %arg2: memref<10000x128xf32, #tpu.memory_space<hbm>>, %arg3: memref<320000xi32, #tpu.memory_space<hbm>>, %arg4: memref<320000xi32, #tpu.memory_space<hbm>>, %arg5: memref<2x10000x128xf32, #tpu.memory_space<hbm>>, %arg6: memref<64x128xf32, #tpu.memory_space<vmem>>, %arg7: memref<64x128xf32, #tpu.memory_space<vmem>>, %arg8: memref<64x128xf32, #tpu.memory_space<vmem>>, %arg9: memref<64x128xf32, #tpu.memory_space<vmem>>, %arg10: memref<10240xi32, #tpu.memory_space<vmem>>, %arg11: memref<64xi32, #tpu.memory_space<vmem>>, %arg12: memref<64xi32, #tpu.memory_space<vmem>>, %arg13: memref<64xi32, #tpu.memory_space<vmem>>, %arg14: memref<64xi32, #tpu.memory_space<vmem>>, %arg15: memref<10000x128xf32, #tpu.memory_space<vmem_shared>>, %arg16: memref<!tpu.dma_semaphore, #tpu.memory_space<semaphore_mem>>, %arg17: memref<!tpu.dma_semaphore, #tpu.memory_space<semaphore_mem>>, %arg18: memref<!tpu.dma_semaphore, #tpu.memory_space<semaphore_mem>>, %arg19: memref<!tpu.dma_semaphore, #tpu.memory_space<semaphore_mem>>, %arg20: memref<!tpu.dma_semaphore, #tpu.memory_space<semaphore_mem>>, %arg21: memref<!tpu.dma_semaphore, #tpu.memory_space<semaphore_mem>>, %arg22: memref<!tpu.dma_semaphore, #tpu.memory_space<semaphore_mem>>, %arg23: memref<!tpu.dma_semaphore, #tpu.memory_space<semaphore_mem>>) attributes {dimension_semantics = [#tpu.dimension_semantics<core_parallel>, #tpu.dimension_semantics<subcore_parallel>], iteration_bounds = array<i64: 2, 16>, scalar_prefetch = 0 : i64, scratch_operands = 18 : i64, tpu.core_type = #tpu.core_type<sc_vector_subcore>, window_params = [{transform_indices = #map}, {transform_indices = #map1}, {transform_indices = #map1}, {transform_indices = #map2}]} {
    %mul3A = arith.constant 16 : i32
    %mul3A_0 = arith.muli %arg0, %mul3A : i32
    %add3A = arith.addi %mul3A_0, %arg1 : i32
    %mul3A_1 = arith.constant 10240 : i32
    %mul3A_2 = arith.muli %add3A, %mul3A_1 : i32
    %eq3A = arith.constant 31 : i32
    %eq3A_3 = arith.cmpi eq, %add3A, %eq3A : i32
    %jit3A = arith.constant 40 : i32
    %jit3A_4 = arith.constant 160 : i32
    %select_n3A = arith.select %eq3A_3, %jit3A, %jit3A_4 : i32
    %lt3A = arith.constant 31 : i32
    %lt3A_5 = arith.cmpi slt, %add3A, %lt3A : i32
    %convert_element_type3A = arith.extui %lt3A_5 : i1 to i32
    %cond3A = arith.constant 0 : i32
    %cond3A_6 = arith.cmpi ne, %convert_element_type3A, %cond3A : i32
    scf.if %cond3A_6 {
      %dma_start3A_115 = tpu.memref_slice %arg3[%mul3A_2] : memref<320000xi32, #tpu.memory_space<hbm>> -> memref<10240xi32, #tpu.memory_space<hbm>>
      %dma_start3A_116 = tpu.memref_slice %arg3[%mul3A_2] : memref<320000xi32, #tpu.memory_space<hbm>> -> memref<10240xi32, #tpu.memory_space<hbm>>
      tpu.enqueue_dma source(%dma_start3A_116 : memref<10240xi32, #tpu.memory_space<hbm>>) target(%arg10 : memref<10240xi32, #tpu.memory_space<vmem>>) target_semaphore(%arg16 : memref<!tpu.dma_semaphore, #tpu.memory_space<semaphore_mem>>)
    } else {
    }
    %eq3A_7 = arith.constant 31 : i32
    %eq3A_8 = arith.cmpi eq, %add3A, %eq3A_7 : i32
    %convert_element_type3A_9 = arith.extui %eq3A_8 : i1 to i32
    %cond3A_10 = arith.constant 0 : i32
    %cond3A_11 = arith.cmpi ne, %convert_element_type3A_9, %cond3A_10 : i32
    scf.if %cond3A_11 {
      %dma_start3A_115 = arith.constant 0 : i32
      %dma_start3A_116 = tpu.memref_slice %arg10[%dma_start3A_115] : memref<10240xi32, #tpu.memory_space<vmem>> -> memref<2560xi32, #tpu.memory_space<vmem>>
      %dma_start3A_117 = arith.constant 317440 : i32
      %dma_start3A_118 = tpu.memref_slice %arg3[%dma_start3A_117] : memref<320000xi32, #tpu.memory_space<hbm>> -> memref<2560xi32, #tpu.memory_space<hbm>>
      %dma_start3A_119 = arith.constant 0 : i32
      %dma_start3A_120 = tpu.memref_slice %arg10[%dma_start3A_119] : memref<10240xi32, #tpu.memory_space<vmem>> -> memref<2560xi32, #tpu.memory_space<vmem>>
      %dma_start3A_121 = arith.constant 317440 : i32
      %dma_start3A_122 = tpu.memref_slice %arg3[%dma_start3A_121] : memref<320000xi32, #tpu.memory_space<hbm>> -> memref<2560xi32, #tpu.memory_space<hbm>>
      tpu.enqueue_dma source(%dma_start3A_122 : memref<2560xi32, #tpu.memory_space<hbm>>) target(%dma_start3A_120 : memref<2560xi32, #tpu.memory_space<vmem>>) target_semaphore(%arg16 : memref<!tpu.dma_semaphore, #tpu.memory_space<semaphore_mem>>)
    } else {
    }
    %broadcast_in_dim3A = arith.constant 0.000000e+00 : f32
    %broadcast_in_dim3A_12 = vector.broadcast %broadcast_in_dim3A : f32 to vector<16xf32>
    %scan3A = arith.constant 0 : i32
    %scan3A_13 = arith.constant 0 : i32
    %scan3A_14 = arith.constant 64 : i32
    %scan3A_15 = arith.addi %scan3A_13, %scan3A_14 : i32
    %scan3A_16 = arith.constant 1 : i32
    scf.for %scan3A_115 = %scan3A_13 to %scan3A_15 step %scan3A_16  : i32 {
      %swap3A = arith.index_cast %scan3A_115 : i32 to index
      %swap3A_116 = arith.constant 0 : index
      %swap3A_117 = tpu.vector_load %arg6[%swap3A, %swap3A_116] {strides = array<i32>} : memref<64x128xf32, #tpu.memory_space<vmem>>, vector<1x16xf32>,
      %swap3A_118 = vector.shape_cast %swap3A_117 : vector<1x16xf32> to vector<16xf32>
      %swap3A_119 = vector.shape_cast %broadcast_in_dim3A_12 : vector<16xf32> to vector<1x16xf32>
      tpu.vector_store %arg6[%swap3A, %swap3A_116], %swap3A_119 {strides = array<i32>} : memref<64x128xf32, #tpu.memory_space<vmem>>, vector<1x16xf32>,
      %swap3A_120 = arith.index_cast %scan3A_115 : i32 to index
      %swap3A_121 = arith.constant 16 : index
      %swap3A_122 = tpu.vector_load %arg6[%swap3A_120, %swap3A_121] {strides = array<i32>} : memref<64x128xf32, #tpu.memory_space<vmem>>, vector<1x16xf32>,
      %swap3A_123 = vector.shape_cast %swap3A_122 : vector<1x16xf32> to vector<16xf32>
      %swap3A_124 = vector.shape_cast %broadcast_in_dim3A_12 : vector<16xf32> to vector<1x16xf32>
      tpu.vector_store %arg6[%swap3A_120, %swap3A_121], %swap3A_124 {strides = array<i32>} : memref<64x128xf32, #tpu.memory_space<vmem>>, vector<1x16xf32>,
      %swap3A_125 = arith.index_cast %scan3A_115 : i32 to index
      %swap3A_126 = arith.constant 32 : index
      %swap3A_127 = tpu.vector_load %arg6[%swap3A_125, %swap3A_126] {strides = array<i32>} : memref<64x128xf32, #tpu.memory_space<vmem>>, vector<1x16xf32>,
      %swap3A_128 = vector.shape_cast %swap3A_127 : vector<1x16xf32> to vector<16xf32>
      %swap3A_129 = vector.shape_cast %broadcast_in_dim3A_12 : vector<16xf32> to vector<1x16xf32>
      tpu.vector_store %arg6[%swap3A_125, %swap3A_126], %swap3A_129 {strides = array<i32>} : memref<64x128xf32, #tpu.memory_space<vmem>>, vector<1x16xf32>,
      %swap3A_130 = arith.index_cast %scan3A_115 : i32 to index
      %swap3A_131 = arith.constant 48 : index
      %swap3A_132 = tpu.vector_load %arg6[%swap3A_130, %swap3A_131] {strides = array<i32>} : memref<64x128xf32, #tpu.memory_space<vmem>>, vector<1x16xf32>,
      %swap3A_133 = vector.shape_cast %swap3A_132 : vector<1x16xf32> to vector<16xf32>
      %swap3A_134 = vector.shape_cast %broadcast_in_dim3A_12 : vector<16xf32> to vector<1x16xf32>
      tpu.vector_store %arg6[%swap3A_130, %swap3A_131], %swap3A_134 {strides = array<i32>} : memref<64x128xf32, #tpu.memory_space<vmem>>, vector<1x16xf32>,
      %swap3A_135 = arith.index_cast %scan3A_115 : i32 to index
      %swap3A_136 = arith.constant 64 : index
      %swap3A_137 = tpu.vector_load %arg6[%swap3A_135, %swap3A_136] {strides = array<i32>} : memref<64x128xf32, #tpu.memory_space<vmem>>, vector<1x16xf32>,
      %swap3A_138 = vector.shape_cast %swap3A_137 : vector<1x16xf32> to vector<16xf32>
      %swap3A_139 = vector.shape_cast %broadcast_in_dim3A_12 : vector<16xf32> to vector<1x16xf32>
      tpu.vector_store %arg6[%swap3A_135, %swap3A_136], %swap3A_139 {strides = array<i32>} : memref<64x128xf32, #tpu.memory_space<vmem>>, vector<1x16xf32>,
      %swap3A_140 = arith.index_cast %scan3A_115 : i32 to index
      %swap3A_141 = arith.constant 80 : index
      %swap3A_142 = tpu.vector_load %arg6[%swap3A_140, %swap3A_141] {strides = array<i32>} : memref<64x128xf32, #tpu.memory_space<vmem>>, vector<1x16xf32>,
      %swap3A_143 = vector.shape_cast %swap3A_142 : vector<1x16xf32> to vector<16xf32>
      %swap3A_144 = vector.shape_cast %broadcast_in_dim3A_12 : vector<16xf32> to vector<1x16xf32>
      tpu.vector_store %arg6[%swap3A_140, %swap3A_141], %swap3A_144 {strides = array<i32>} : memref<64x128xf32, #tpu.memory_space<vmem>>, vector<1x16xf32>,
      %swap3A_145 = arith.index_cast %scan3A_115 : i32 to index
      %swap3A_146 = arith.constant 96 : index
      %swap3A_147 = tpu.vector_load %arg6[%swap3A_145, %swap3A_146] {strides = array<i32>} : memref<64x128xf32, #tpu.memory_space<vmem>>, vector<1x16xf32>,
      %swap3A_148 = vector.shape_cast %swap3A_147 : vector<1x16xf32> to vector<16xf32>
      %swap3A_149 = vector.shape_cast %broadcast_in_dim3A_12 : vector<16xf32> to vector<1x16xf32>
      tpu.vector_store %arg6[%swap3A_145, %swap3A_146], %swap3A_149 {strides = array<i32>} : memref<64x128xf32, #tpu.memory_space<vmem>>, vector<1x16xf32>,
      %swap3A_150 = arith.index_cast %scan3A_115 : i32 to index
      %swap3A_151 = arith.constant 112 : index
      %swap3A_152 = tpu.vector_load %arg6[%swap3A_150, %swap3A_151] {strides = array<i32>} : memref<64x128xf32, #tpu.memory_space<vmem>>, vector<1x16xf32>,
      %swap3A_153 = vector.shape_cast %swap3A_152 : vector<1x16xf32> to vector<16xf32>
      %swap3A_154 = vector.shape_cast %broadcast_in_dim3A_12 : vector<16xf32> to vector<1x16xf32>
      tpu.vector_store %arg6[%swap3A_150, %swap3A_151], %swap3A_154 {strides = array<i32>} : memref<64x128xf32, #tpu.memory_space<vmem>>, vector<1x16xf32>,
    }
    %scan3A_17 = arith.constant 64 : i32
    %scan3A_18 = arith.constant 0 : i32
    %scan3A_19 = arith.constant 0 : i32
    %scan3A_20 = arith.constant 16 : i32
    %scan3A_21 = arith.addi %scan3A_19, %scan3A_20 : i32
    %scan3A_22 = arith.constant 1 : i32
    scf.for %scan3A_115 = %scan3A_19 to %scan3A_21 step %scan3A_22  : i32 {
      %mul3A_116 = arith.constant 16 : i32
      %mul3A_117 = arith.muli %arg1, %mul3A_116 : i32
      %add3A_118 = arith.addi %mul3A_117, %scan3A_115 : i32
      %lt3A_119 = arith.constant 250 : i32
      %lt3A_120 = arith.cmpi slt, %add3A_118, %lt3A_119 : i32
      %convert_element_type3A_121 = arith.extui %lt3A_120 : i1 to i32
      %cond3A_122 = arith.constant 0 : i32
      %cond3A_123 = arith.cmpi ne, %convert_element_type3A_121, %cond3A_122 : i32
      scf.if %cond3A_123 {
        %mul3A_124 = arith.constant 40 : i32
        %mul3A_125 = arith.muli %add3A_118, %mul3A_124 : i32
        %dma_start3A_126 = arith.constant 0 : i32
        %dma_start3A_127 = arith.constant 0 : i32
        %dma_start3A_128 = tpu.memref_slice %arg6[%dma_start3A_126, %dma_start3A_127] : memref<64x128xf32, #tpu.memory_space<vmem>> -> memref<40x128xf32, #tpu.memory_space<vmem>>
        %dma_start3A_129 = arith.constant 0 : i32
        %dma_start3A_130 = tpu.memref_slice %arg15[%mul3A_125, %dma_start3A_129] : memref<10000x128xf32, #tpu.memory_space<vmem_shared>> -> memref<40x128xf32, #tpu.memory_space<vmem_shared>>
        %dma_start3A_131 = arith.constant 0 : i32
        %dma_start3A_132 = tpu.memref_slice %arg15[%mul3A_125, %dma_start3A_131] : memref<10000x128xf32, #tpu.memory_space<vmem_shared>> -> memref<40x128xf32, #tpu.memory_space<vmem_shared>>
        %dma_start3A_133 = arith.constant 0 : i32
        %dma_start3A_134 = arith.constant 0 : i32
        %dma_start3A_135 = tpu.memref_slice %arg6[%dma_start3A_133, %dma_start3A_134] : memref<64x128xf32, #tpu.memory_space<vmem>> -> memref<40x128xf32, #tpu.memory_space<vmem>>
        tpu.enqueue_dma source(%dma_start3A_135 : memref<40x128xf32, #tpu.memory_space<vmem>>) target(%dma_start3A_132 : memref<40x128xf32, #tpu.memory_space<vmem_shared>>) target_semaphore(%arg20 : memref<!tpu.dma_semaphore, #tpu.memory_space<semaphore_mem>>)
      } else {
      }
    }
    %scan3A_23 = arith.constant 16 : i32
    %scan3A_24 = arith.constant 0 : i32
    %scan3A_25 = arith.constant 0 : i32
    %scan3A_26 = arith.constant 16 : i32
    %scan3A_27 = arith.addi %scan3A_25, %scan3A_26 : i32
    %scan3A_28 = arith.constant 1 : i32
    scf.for %scan3A_115 = %scan3A_25 to %scan3A_27 step %scan3A_28  : i32 {
      %mul3A_116 = arith.constant 16 : i32
      %mul3A_117 = arith.muli %arg1, %mul3A_116 : i32
      %add3A_118 = arith.addi %mul3A_117, %scan3A_115 : i32
      %lt3A_119 = arith.constant 250 : i32
      %lt3A_120 = arith.cmpi slt, %add3A_118, %lt3A_119 : i32
      %convert_element_type3A_121 = arith.extui %lt3A_120 : i1 to i32
      %cond3A_122 = arith.constant 0 : i32
      %cond3A_123 = arith.cmpi ne, %convert_element_type3A_121, %cond3A_122 : i32
      scf.if %cond3A_123 {
        %mul3A_124 = arith.constant 40 : i32
        %mul3A_125 = arith.muli %add3A_118, %mul3A_124 : i32
        %dma_wait3A = arith.constant 0 : i32
        %dma_wait3A_126 = arith.constant 0 : i32
        %dma_wait3A_127 = tpu.memref_slice %arg6[%dma_wait3A, %dma_wait3A_126] : memref<64x128xf32, #tpu.memory_space<vmem>> -> memref<40x128xf32, #tpu.memory_space<vmem>>
        %dma_wait3A_128 = arith.constant 0 : i32
        %dma_wait3A_129 = tpu.memref_slice %arg15[%mul3A_125, %dma_wait3A_128] : memref<10000x128xf32, #tpu.memory_space<vmem_shared>> -> memref<40x128xf32, #tpu.memory_space<vmem_shared>>
        %dma_wait3A_130 = arith.constant 0 : i32
        %dma_wait3A_131 = tpu.memref_slice %arg15[%mul3A_125, %dma_wait3A_130] : memref<10000x128xf32, #tpu.memory_space<vmem_shared>> -> memref<40x128xf32, #tpu.memory_space<vmem_shared>>
        %dma_wait3A_132 = arith.constant 0 : i32
        %dma_wait3A_133 = arith.constant 0 : i32
        %dma_wait3A_134 = tpu.memref_slice %arg6[%dma_wait3A_132, %dma_wait3A_133] : memref<64x128xf32, #tpu.memory_space<vmem>> -> memref<40x128xf32, #tpu.memory_space<vmem>>
        tpu.wait_dma2 semaphore(%arg20 : memref<!tpu.dma_semaphore, #tpu.memory_space<semaphore_mem>>) src(%dma_wait3A_134 : memref<40x128xf32, #tpu.memory_space<vmem>>) dst(%dma_wait3A_131 : memref<40x128xf32, #tpu.memory_space<vmem_shared>>)
      } else {
      }
    }
    %scan3A_29 = arith.constant 16 : i32
    %lt3A_30 = arith.constant 31 : i32
    %lt3A_31 = arith.cmpi slt, %add3A, %lt3A_30 : i32
    %convert_element_type3A_32 = arith.extui %lt3A_31 : i1 to i32
    %cond3A_33 = arith.constant 0 : i32
    %cond3A_34 = arith.cmpi ne, %convert_element_type3A_32, %cond3A_33 : i32
    scf.if %cond3A_34 {
      %dma_wait3A = tpu.memref_slice %arg3[%mul3A_2] : memref<320000xi32, #tpu.memory_space<hbm>> -> memref<10240xi32, #tpu.memory_space<hbm>>
      %dma_wait3A_115 = tpu.memref_slice %arg3[%mul3A_2] : memref<320000xi32, #tpu.memory_space<hbm>> -> memref<10240xi32, #tpu.memory_space<hbm>>
      tpu.wait_dma2 semaphore(%arg16 : memref<!tpu.dma_semaphore, #tpu.memory_space<semaphore_mem>>) src(%dma_wait3A_115 : memref<10240xi32, #tpu.memory_space<hbm>>) dst(%arg10 : memref<10240xi32, #tpu.memory_space<vmem>>)
    } else {
    }
    %eq3A_35 = arith.constant 31 : i32
    %eq3A_36 = arith.cmpi eq, %add3A, %eq3A_35 : i32
    %convert_element_type3A_37 = arith.extui %eq3A_36 : i1 to i32
    %cond3A_38 = arith.constant 0 : i32
    %cond3A_39 = arith.cmpi ne, %convert_element_type3A_37, %cond3A_38 : i32
    scf.if %cond3A_39 {
      %dma_wait3A = arith.constant 0 : i32
      %dma_wait3A_115 = tpu.memref_slice %arg10[%dma_wait3A] : memref<10240xi32, #tpu.memory_space<vmem>> -> memref<2560xi32, #tpu.memory_space<vmem>>
      %dma_wait3A_116 = arith.constant 317440 : i32
      %dma_wait3A_117 = tpu.memref_slice %arg3[%dma_wait3A_116] : memref<320000xi32, #tpu.memory_space<hbm>> -> memref<2560xi32, #tpu.memory_space<hbm>>
      %dma_wait3A_118 = arith.constant 0 : i32
      %dma_wait3A_119 = tpu.memref_slice %arg10[%dma_wait3A_118] : memref<10240xi32, #tpu.memory_space<vmem>> -> memref<2560xi32, #tpu.memory_space<vmem>>
      %dma_wait3A_120 = arith.constant 317440 : i32
      %dma_wait3A_121 = tpu.memref_slice %arg3[%dma_wait3A_120] : memref<320000xi32, #tpu.memory_space<hbm>> -> memref<2560xi32, #tpu.memory_space<hbm>>
      tpu.wait_dma2 semaphore(%arg16 : memref<!tpu.dma_semaphore, #tpu.memory_space<semaphore_mem>>) src(%dma_wait3A_121 : memref<2560xi32, #tpu.memory_space<hbm>>) dst(%dma_wait3A_119 : memref<2560xi32, #tpu.memory_space<vmem>>)
    } else {
    }
    %barrier3A = arith.constant 0 : index
    tpu.barrier barrier_id(%barrier3A)
    %dma_start3A = arith.constant 0 : i32
    %dma_start3A_40 = tpu.memref_slice %arg10[%dma_start3A] : memref<10240xi32, #tpu.memory_space<vmem>> -> memref<64xi32, #tpu.memory_space<vmem>>
    %dma_start3A_41 = arith.constant 0 : i32
    %dma_start3A_42 = arith.constant 0 : i32
    %dma_start3A_43 = tpu.memref_slice %arg2[%dma_start3A_41, %dma_start3A_42] : memref<10000x128xf32, #tpu.memory_space<hbm>> -> memref<10000x128xf32, #tpu.memory_space<hbm>>
    tpu.enqueue_indirect_dma source(%dma_start3A_43 : memref<10000x128xf32, #tpu.memory_space<hbm>>) target(%arg6 : memref<64x128xf32, #tpu.memory_space<vmem>>) offsets(%dma_start3A_40 : memref<64xi32, #tpu.memory_space<vmem>>) semaphore(%arg16 : memref<!tpu.dma_semaphore, #tpu.memory_space<semaphore_mem>>)
    %add3A_44 = arith.constant 0 : i32
    %add3A_45 = arith.addi %mul3A_2, %add3A_44 : i32
    %dma_start3A_46 = tpu.memref_slice %arg4[%add3A_45] : memref<320000xi32, #tpu.memory_space<hbm>> -> memref<64xi32, #tpu.memory_space<hbm>>
    %dma_start3A_47 = tpu.memref_slice %arg4[%add3A_45] : memref<320000xi32, #tpu.memory_space<hbm>> -> memref<64xi32, #tpu.memory_space<hbm>>
    tpu.enqueue_dma source(%dma_start3A_47 : memref<64xi32, #tpu.memory_space<hbm>>) target(%arg11 : memref<64xi32, #tpu.memory_space<vmem>>) target_semaphore(%arg20 : memref<!tpu.dma_semaphore, #tpu.memory_space<semaphore_mem>>)
    %dma_start3A_48 = arith.constant 64 : i32
    %dma_start3A_49 = tpu.memref_slice %arg10[%dma_start3A_48] : memref<10240xi32, #tpu.memory_space<vmem>> -> memref<64xi32, #tpu.memory_space<vmem>>
    %dma_start3A_50 = arith.constant 0 : i32
    %dma_start3A_51 = arith.constant 0 : i32
    %dma_start3A_52 = tpu.memref_slice %arg2[%dma_start3A_50, %dma_start3A_51] : memref<10000x128xf32, #tpu.memory_space<hbm>> -> memref<10000x128xf32, #tpu.memory_space<hbm>>
    tpu.enqueue_indirect_dma source(%dma_start3A_52 : memref<10000x128xf32, #tpu.memory_space<hbm>>) target(%arg7 : memref<64x128xf32, #tpu.memory_space<vmem>>) offsets(%dma_start3A_49 : memref<64xi32, #tpu.memory_space<vmem>>) semaphore(%arg17 : memref<!tpu.dma_semaphore, #tpu.memory_space<semaphore_mem>>)
    %add3A_53 = arith.constant 64 : i32
    %add3A_54 = arith.addi %mul3A_2, %add3A_53 : i32
    %dma_start3A_55 = tpu.memref_slice %arg4[%add3A_54] : memref<320000xi32, #tpu.memory_space<hbm>> -> memref<64xi32, #tpu.memory_space<hbm>>
    %dma_start3A_56 = tpu.memref_slice %arg4[%add3A_54] : memref<320000xi32, #tpu.memory_space<hbm>> -> memref<64xi32, #tpu.memory_space<hbm>>
    tpu.enqueue_dma source(%dma_start3A_56 : memref<64xi32, #tpu.memory_space<hbm>>) target(%arg12 : memref<64xi32, #tpu.memory_space<vmem>>) target_semaphore(%arg21 : memref<!tpu.dma_semaphore, #tpu.memory_space<semaphore_mem>>)
    %dma_start3A_57 = arith.constant 128 : i32
    %dma_start3A_58 = tpu.memref_slice %arg10[%dma_start3A_57] : memref<10240xi32, #tpu.memory_space<vmem>> -> memref<64xi32, #tpu.memory_space<vmem>>
    %dma_start3A_59 = arith.constant 0 : i32
    %dma_start3A_60 = arith.constant 0 : i32
    %dma_start3A_61 = tpu.memref_slice %arg2[%dma_start3A_59, %dma_start3A_60] : memref<10000x128xf32, #tpu.memory_space<hbm>> -> memref<10000x128xf32, #tpu.memory_space<hbm>>
    tpu.enqueue_indirect_dma source(%dma_start3A_61 : memref<10000x128xf32, #tpu.memory_space<hbm>>) target(%arg8 : memref<64x128xf32, #tpu.memory_space<vmem>>) offsets(%dma_start3A_58 : memref<64xi32, #tpu.memory_space<vmem>>) semaphore(%arg18 : memref<!tpu.dma_semaphore, #tpu.memory_space<semaphore_mem>>)
    %add3A_62 = arith.constant 128 : i32
    %add3A_63 = arith.addi %mul3A_2, %add3A_62 : i32
    %dma_start3A_64 = tpu.memref_slice %arg4[%add3A_63] : memref<320000xi32, #tpu.memory_space<hbm>> -> memref<64xi32, #tpu.memory_space<hbm>>
    %dma_start3A_65 = tpu.memref_slice %arg4[%add3A_63] : memref<320000xi32, #tpu.memory_space<hbm>> -> memref<64xi32, #tpu.memory_space<hbm>>
    tpu.enqueue_dma source(%dma_start3A_65 : memref<64xi32, #tpu.memory_space<hbm>>) target(%arg13 : memref<64xi32, #tpu.memory_space<vmem>>) target_semaphore(%arg22 : memref<!tpu.dma_semaphore, #tpu.memory_space<semaphore_mem>>)
    %dma_start3A_66 = arith.constant 192 : i32
    %dma_start3A_67 = tpu.memref_slice %arg10[%dma_start3A_66] : memref<10240xi32, #tpu.memory_space<vmem>> -> memref<64xi32, #tpu.memory_space<vmem>>
    %dma_start3A_68 = arith.constant 0 : i32
    %dma_start3A_69 = arith.constant 0 : i32
    %dma_start3A_70 = tpu.memref_slice %arg2[%dma_start3A_68, %dma_start3A_69] : memref<10000x128xf32, #tpu.memory_space<hbm>> -> memref<10000x128xf32, #tpu.memory_space<hbm>>
    tpu.enqueue_indirect_dma source(%dma_start3A_70 : memref<10000x128xf32, #tpu.memory_space<hbm>>) target(%arg9 : memref<64x128xf32, #tpu.memory_space<vmem>>) offsets(%dma_start3A_67 : memref<64xi32, #tpu.memory_space<vmem>>) semaphore(%arg19 : memref<!tpu.dma_semaphore, #tpu.memory_space<semaphore_mem>>)
    %add3A_71 = arith.constant 192 : i32
    %add3A_72 = arith.addi %mul3A_2, %add3A_71 : i32
    %dma_start3A_73 = tpu.memref_slice %arg4[%add3A_72] : memref<320000xi32, #tpu.memory_space<hbm>> -> memref<64xi32, #tpu.memory_space<hbm>>
    %dma_start3A_74 = tpu.memref_slice %arg4[%add3A_72] : memref<320000xi32, #tpu.memory_space<hbm>> -> memref<64xi32, #tpu.memory_space<hbm>>
    tpu.enqueue_dma source(%dma_start3A_74 : memref<64xi32, #tpu.memory_space<hbm>>) target(%arg14 : memref<64xi32, #tpu.memory_space<vmem>>) target_semaphore(%arg23 : memref<!tpu.dma_semaphore, #tpu.memory_space<semaphore_mem>>)
    %jit3A_75 = arith.constant 4 : i32
    %div3A = arith.divsi %select_n3A, %jit3A_75 : i32
    %sign3A = arith.constant 0 : i32
    %sign3A_76 = arith.cmpi sgt, %select_n3A, %sign3A : i32
    %sign3A_77 = arith.extui %sign3A_76 : i1 to i32
    %sign3A_78 = arith.constant 0 : i32
    %sign3A_79 = arith.cmpi slt, %select_n3A, %sign3A_78 : i32
    %sign3A_80 = arith.extui %sign3A_79 : i1 to i32
    %sign3A_81 = arith.subi %sign3A_77, %sign3A_80 : i32
    %sign3A_82 = arith.constant 0 : i32
    %sign3A_83 = arith.cmpi sgt, %jit3A_75, %sign3A_82 : i32
    %sign3A_84 = arith.extui %sign3A_83 : i1 to i32
    %sign3A_85 = arith.constant 0 : i32
    %sign3A_86 = arith.cmpi slt, %jit3A_75, %sign3A_85 : i32
    %sign3A_87 = arith.extui %sign3A_86 : i1 to i32
    %sign3A_88 = arith.subi %sign3A_84, %sign3A_87 : i32
    %ne3A = arith.cmpi ne, %sign3A_81, %sign3A_88 : i32
    %rem3A = arith.remsi %select_n3A, %jit3A_75 : i32
    %ne3A_89 = arith.constant 0 : i32
    %ne3A_90 = arith.cmpi ne, %rem3A, %ne3A_89 : i32
    %and3A = arith.andi %ne3A, %ne3A_90 : i1
    %sub3A = arith.constant 1 : i32
    %sub3A_91 = arith.subi %div3A, %sub3A : i32
    %select_n3A_92 = arith.select %and3A, %sub3A_91, %div3A : i32
    %while3A = arith.constant 0 : i32
    %while3A_93 = arith.constant 0 : i32
    %while3A_94 = arith.subi %select_n3A_92, %while3A_93 : i32
    %while3A_95 = arith.addi %while3A_93, %while3A_94 : i32
    %while3A_96 = arith.constant 1 : i32
    %while3A_97 = arith.divsi %while3A_94, %while3A_96 : i32
    %while3A_98 = arith.muli %while3A_97, %while3A_96 : i32
    %while3A_99 = arith.addi %while3A_93, %while3A_98 : i32
    %while3A_100 = arith.constant 1 : i32
    scf.for %while3A_115 = %while3A_93 to %while3A_99 step %while3A_100  : i32 {
      %mul3A_116 = arith.constant 4 : i32
      %mul3A_117 = arith.muli %while3A_115, %mul3A_116 : i32
      %add3A_118 = arith.constant 0 : i32
      %add3A_119 = arith.addi %mul3A_117, %add3A_118 : i32
      %mul3A_120 = arith.constant 64 : i32
      %mul3A_121 = arith.muli %add3A_119, %mul3A_120 : i32
      %dma_wait3A = tpu.memref_slice %arg10[%mul3A_121] : memref<10240xi32, #tpu.memory_space<vmem>> -> memref<64xi32, #tpu.memory_space<vmem>>
      %dma_wait3A_122 = arith.constant 0 : i32
      %dma_wait3A_123 = arith.constant 0 : i32
      %dma_wait3A_124 = tpu.memref_slice %arg2[%dma_wait3A_122, %dma_wait3A_123] : memref<10000x128xf32, #tpu.memory_space<hbm>> -> memref<10000x128xf32, #tpu.memory_space<hbm>>
      tpu.wait_indirect_dma semaphore(%arg16 : memref<!tpu.dma_semaphore, #tpu.memory_space<semaphore_mem>>) src(%dma_wait3A_124 : memref<10000x128xf32, #tpu.memory_space<hbm>>) dst(%arg6 : memref<64x128xf32, #tpu.memory_space<vmem>>)
      %mul3A_125 = arith.constant 64 : i32
      %mul3A_126 = arith.muli %add3A_119, %mul3A_125 : i32
      %add3A_127 = arith.addi %mul3A_2, %mul3A_126 : i32
      %dma_wait3A_128 = tpu.memref_slice %arg4[%add3A_127] : memref<320000xi32, #tpu.memory_space<hbm>> -> memref<64xi32, #tpu.memory_space<hbm>>
      %dma_wait3A_129 = tpu.memref_slice %arg4[%add3A_127] : memref<320000xi32, #tpu.memory_space<hbm>> -> memref<64xi32, #tpu.memory_space<hbm>>
      tpu.wait_dma2 semaphore(%arg20 : memref<!tpu.dma_semaphore, #tpu.memory_space<semaphore_mem>>) src(%dma_wait3A_129 : memref<64xi32, #tpu.memory_space<hbm>>) dst(%arg11 : memref<64xi32, #tpu.memory_space<vmem>>)
      "tpu.region"() ({
        %run_scoped3A = tpu.sem_alloc : memref<!tpu.dma_semaphore, #tpu.memory_space<semaphore_mem>>
        %dma_start3A_199 = arith.constant 0 : i32
        %dma_start3A_200 = arith.constant 0 : i32
        %dma_start3A_201 = tpu.memref_slice %arg15[%dma_start3A_199, %dma_start3A_200] : memref<10000x128xf32, #tpu.memory_space<vmem_shared>> -> memref<10000x128xf32, #tpu.memory_space<vmem_shared>>
        tpu.enqueue_indirect_dma source(%arg6 : memref<64x128xf32, #tpu.memory_space<vmem>>) target(%dma_start3A_201 : memref<10000x128xf32, #tpu.memory_space<vmem_shared>>) offsets(%arg11 : memref<64xi32, #tpu.memory_space<vmem>>) semaphore(%run_scoped3A : memref<!tpu.dma_semaphore, #tpu.memory_space<semaphore_mem>>) {add = true}
        %dma_wait3A_202 = arith.constant 0 : i32
        %dma_wait3A_203 = arith.constant 0 : i32
        %dma_wait3A_204 = tpu.memref_slice %arg15[%dma_wait3A_202, %dma_wait3A_203] : memref<10000x128xf32, #tpu.memory_space<vmem_shared>> -> memref<10000x128xf32, #tpu.memory_space<vmem_shared>>
        tpu.wait_indirect_dma semaphore(%run_scoped3A : memref<!tpu.dma_semaphore, #tpu.memory_space<semaphore_mem>>) src(%arg6 : memref<64x128xf32, #tpu.memory_space<vmem>>) dst(%dma_wait3A_204 : memref<10000x128xf32, #tpu.memory_space<vmem_shared>>)
        tpu.yield
      }) : () -> ()
      %add3A_130 = arith.constant 4 : i32
      %add3A_131 = arith.addi %add3A_119, %add3A_130 : i32
      %lt3A_132 = arith.cmpi slt, %add3A_131, %select_n3A : i32
      %convert_element_type3A_133 = arith.extui %lt3A_132 : i1 to i32
      %cond3A_134 = arith.constant 0 : i32
      %cond3A_135 = arith.cmpi ne, %convert_element_type3A_133, %cond3A_134 : i32
      scf.if %cond3A_135 {
        %add3A_199 = arith.constant 4 : i32
        %add3A_200 = arith.addi %add3A_119, %add3A_199 : i32
        %mul3A_201 = arith.constant 64 : i32
        %mul3A_202 = arith.muli %add3A_200, %mul3A_201 : i32
        %dma_start3A_203 = tpu.memref_slice %arg10[%mul3A_202] : memref<10240xi32, #tpu.memory_space<vmem>> -> memref<64xi32, #tpu.memory_space<vmem>>
        %dma_start3A_204 = arith.constant 0 : i32
        %dma_start3A_205 = arith.constant 0 : i32
        %dma_start3A_206 = tpu.memref_slice %arg2[%dma_start3A_204, %dma_start3A_205] : memref<10000x128xf32, #tpu.memory_space<hbm>> -> memref<10000x128xf32, #tpu.memory_space<hbm>>
        tpu.enqueue_indirect_dma source(%dma_start3A_206 : memref<10000x128xf32, #tpu.memory_space<hbm>>) target(%arg6 : memref<64x128xf32, #tpu.memory_space<vmem>>) offsets(%dma_start3A_203 : memref<64xi32, #tpu.memory_space<vmem>>) semaphore(%arg16 : memref<!tpu.dma_semaphore, #tpu.memory_space<semaphore_mem>>)
        %mul3A_207 = arith.constant 64 : i32
        %mul3A_208 = arith.muli %add3A_200, %mul3A_207 : i32
        %add3A_209 = arith.addi %mul3A_2, %mul3A_208 : i32
        %dma_start3A_210 = tpu.memref_slice %arg4[%add3A_209] : memref<320000xi32, #tpu.memory_space<hbm>> -> memref<64xi32, #tpu.memory_space<hbm>>
        %dma_start3A_211 = tpu.memref_slice %arg4[%add3A_209] : memref<320000xi32, #tpu.memory_space<hbm>> -> memref<64xi32, #tpu.memory_space<hbm>>
        tpu.enqueue_dma source(%dma_start3A_211 : memref<64xi32, #tpu.memory_space<hbm>>) target(%arg11 : memref<64xi32, #tpu.memory_space<vmem>>) target_semaphore(%arg20 : memref<!tpu.dma_semaphore, #tpu.memory_space<semaphore_mem>>)
      } else {
      }
      %mul3A_136 = arith.constant 4 : i32
      %mul3A_137 = arith.muli %while3A_115, %mul3A_136 : i32
      %add3A_138 = arith.constant 1 : i32
      %add3A_139 = arith.addi %mul3A_137, %add3A_138 : i32
      %mul3A_140 = arith.constant 64 : i32
      %mul3A_141 = arith.muli %add3A_139, %mul3A_140 : i32
      %dma_wait3A_142 = tpu.memref_slice %arg10[%mul3A_141] : memref<10240xi32, #tpu.memory_space<vmem>> -> memref<64xi32, #tpu.memory_space<vmem>>
      %dma_wait3A_143 = arith.constant 0 : i32
      %dma_wait3A_144 = arith.constant 0 : i32
      %dma_wait3A_145 = tpu.memref_slice %arg2[%dma_wait3A_143, %dma_wait3A_144] : memref<10000x128xf32, #tpu.memory_space<hbm>> -> memref<10000x128xf32, #tpu.memory_space<hbm>>
      tpu.wait_indirect_dma semaphore(%arg17 : memref<!tpu.dma_semaphore, #tpu.memory_space<semaphore_mem>>) src(%dma_wait3A_145 : memref<10000x128xf32, #tpu.memory_space<hbm>>) dst(%arg7 : memref<64x128xf32, #tpu.memory_space<vmem>>)
      %mul3A_146 = arith.constant 64 : i32
      %mul3A_147 = arith.muli %add3A_139, %mul3A_146 : i32
      %add3A_148 = arith.addi %mul3A_2, %mul3A_147 : i32
      %dma_wait3A_149 = tpu.memref_slice %arg4[%add3A_148] : memref<320000xi32, #tpu.memory_space<hbm>> -> memref<64xi32, #tpu.memory_space<hbm>>
      %dma_wait3A_150 = tpu.memref_slice %arg4[%add3A_148] : memref<320000xi32, #tpu.memory_space<hbm>> -> memref<64xi32, #tpu.memory_space<hbm>>
      tpu.wait_dma2 semaphore(%arg21 : memref<!tpu.dma_semaphore, #tpu.memory_space<semaphore_mem>>) src(%dma_wait3A_150 : memref<64xi32, #tpu.memory_space<hbm>>) dst(%arg12 : memref<64xi32, #tpu.memory_space<vmem>>)
      "tpu.region"() ({
        %run_scoped3A = tpu.sem_alloc : memref<!tpu.dma_semaphore, #tpu.memory_space<semaphore_mem>>
        %dma_start3A_199 = arith.constant 0 : i32
        %dma_start3A_200 = arith.constant 0 : i32
        %dma_start3A_201 = tpu.memref_slice %arg15[%dma_start3A_199, %dma_start3A_200] : memref<10000x128xf32, #tpu.memory_space<vmem_shared>> -> memref<10000x128xf32, #tpu.memory_space<vmem_shared>>
        tpu.enqueue_indirect_dma source(%arg7 : memref<64x128xf32, #tpu.memory_space<vmem>>) target(%dma_start3A_201 : memref<10000x128xf32, #tpu.memory_space<vmem_shared>>) offsets(%arg12 : memref<64xi32, #tpu.memory_space<vmem>>) semaphore(%run_scoped3A : memref<!tpu.dma_semaphore, #tpu.memory_space<semaphore_mem>>) {add = true}
        %dma_wait3A_202 = arith.constant 0 : i32
        %dma_wait3A_203 = arith.constant 0 : i32
        %dma_wait3A_204 = tpu.memref_slice %arg15[%dma_wait3A_202, %dma_wait3A_203] : memref<10000x128xf32, #tpu.memory_space<vmem_shared>> -> memref<10000x128xf32, #tpu.memory_space<vmem_shared>>
        tpu.wait_indirect_dma semaphore(%run_scoped3A : memref<!tpu.dma_semaphore, #tpu.memory_space<semaphore_mem>>) src(%arg7 : memref<64x128xf32, #tpu.memory_space<vmem>>) dst(%dma_wait3A_204 : memref<10000x128xf32, #tpu.memory_space<vmem_shared>>)
        tpu.yield
      }) : () -> ()
      %add3A_151 = arith.constant 4 : i32
      %add3A_152 = arith.addi %add3A_139, %add3A_151 : i32
      %lt3A_153 = arith.cmpi slt, %add3A_152, %select_n3A : i32
      %convert_element_type3A_154 = arith.extui %lt3A_153 : i1 to i32
      %cond3A_155 = arith.constant 0 : i32
      %cond3A_156 = arith.cmpi ne, %convert_element_type3A_154, %cond3A_155 : i32
      scf.if %cond3A_156 {
        %add3A_199 = arith.constant 4 : i32
        %add3A_200 = arith.addi %add3A_139, %add3A_199 : i32
        %mul3A_201 = arith.constant 64 : i32
        %mul3A_202 = arith.muli %add3A_200, %mul3A_201 : i32
        %dma_start3A_203 = tpu.memref_slice %arg10[%mul3A_202] : memref<10240xi32, #tpu.memory_space<vmem>> -> memref<64xi32, #tpu.memory_space<vmem>>
        %dma_start3A_204 = arith.constant 0 : i32
        %dma_start3A_205 = arith.constant 0 : i32
        %dma_start3A_206 = tpu.memref_slice %arg2[%dma_start3A_204, %dma_start3A_205] : memref<10000x128xf32, #tpu.memory_space<hbm>> -> memref<10000x128xf32, #tpu.memory_space<hbm>>
        tpu.enqueue_indirect_dma source(%dma_start3A_206 : memref<10000x128xf32, #tpu.memory_space<hbm>>) target(%arg7 : memref<64x128xf32, #tpu.memory_space<vmem>>) offsets(%dma_start3A_203 : memref<64xi32, #tpu.memory_space<vmem>>) semaphore(%arg17 : memref<!tpu.dma_semaphore, #tpu.memory_space<semaphore_mem>>)
        %mul3A_207 = arith.constant 64 : i32
        %mul3A_208 = arith.muli %add3A_200, %mul3A_207 : i32
        %add3A_209 = arith.addi %mul3A_2, %mul3A_208 : i32
        %dma_start3A_210 = tpu.memref_slice %arg4[%add3A_209] : memref<320000xi32, #tpu.memory_space<hbm>> -> memref<64xi32, #tpu.memory_space<hbm>>
        %dma_start3A_211 = tpu.memref_slice %arg4[%add3A_209] : memref<320000xi32, #tpu.memory_space<hbm>> -> memref<64xi32, #tpu.memory_space<hbm>>
        tpu.enqueue_dma source(%dma_start3A_211 : memref<64xi32, #tpu.memory_space<hbm>>) target(%arg12 : memref<64xi32, #tpu.memory_space<vmem>>) target_semaphore(%arg21 : memref<!tpu.dma_semaphore, #tpu.memory_space<semaphore_mem>>)
      } else {
      }
      %mul3A_157 = arith.constant 4 : i32
      %mul3A_158 = arith.muli %while3A_115, %mul3A_157 : i32
      %add3A_159 = arith.constant 2 : i32
      %add3A_160 = arith.addi %mul3A_158, %add3A_159 : i32
      %mul3A_161 = arith.constant 64 : i32
      %mul3A_162 = arith.muli %add3A_160, %mul3A_161 : i32
      %dma_wait3A_163 = tpu.memref_slice %arg10[%mul3A_162] : memref<10240xi32, #tpu.memory_space<vmem>> -> memref<64xi32, #tpu.memory_space<vmem>>
      %dma_wait3A_164 = arith.constant 0 : i32
      %dma_wait3A_165 = arith.constant 0 : i32
      %dma_wait3A_166 = tpu.memref_slice %arg2[%dma_wait3A_164, %dma_wait3A_165] : memref<10000x128xf32, #tpu.memory_space<hbm>> -> memref<10000x128xf32, #tpu.memory_space<hbm>>
      tpu.wait_indirect_dma semaphore(%arg18 : memref<!tpu.dma_semaphore, #tpu.memory_space<semaphore_mem>>) src(%dma_wait3A_166 : memref<10000x128xf32, #tpu.memory_space<hbm>>) dst(%arg8 : memref<64x128xf32, #tpu.memory_space<vmem>>)
      %mul3A_167 = arith.constant 64 : i32
      %mul3A_168 = arith.muli %add3A_160, %mul3A_167 : i32
      %add3A_169 = arith.addi %mul3A_2, %mul3A_168 : i32
      %dma_wait3A_170 = tpu.memref_slice %arg4[%add3A_169] : memref<320000xi32, #tpu.memory_space<hbm>> -> memref<64xi32, #tpu.memory_space<hbm>>
      %dma_wait3A_171 = tpu.memref_slice %arg4[%add3A_169] : memref<320000xi32, #tpu.memory_space<hbm>> -> memref<64xi32, #tpu.memory_space<hbm>>
      tpu.wait_dma2 semaphore(%arg22 : memref<!tpu.dma_semaphore, #tpu.memory_space<semaphore_mem>>) src(%dma_wait3A_171 : memref<64xi32, #tpu.memory_space<hbm>>) dst(%arg13 : memref<64xi32, #tpu.memory_space<vmem>>)
      "tpu.region"() ({
        %run_scoped3A = tpu.sem_alloc : memref<!tpu.dma_semaphore, #tpu.memory_space<semaphore_mem>>
        %dma_start3A_199 = arith.constant 0 : i32
        %dma_start3A_200 = arith.constant 0 : i32
        %dma_start3A_201 = tpu.memref_slice %arg15[%dma_start3A_199, %dma_start3A_200] : memref<10000x128xf32, #tpu.memory_space<vmem_shared>> -> memref<10000x128xf32, #tpu.memory_space<vmem_shared>>
        tpu.enqueue_indirect_dma source(%arg8 : memref<64x128xf32, #tpu.memory_space<vmem>>) target(%dma_start3A_201 : memref<10000x128xf32, #tpu.memory_space<vmem_shared>>) offsets(%arg13 : memref<64xi32, #tpu.memory_space<vmem>>) semaphore(%run_scoped3A : memref<!tpu.dma_semaphore, #tpu.memory_space<semaphore_mem>>) {add = true}
        %dma_wait3A_202 = arith.constant 0 : i32
        %dma_wait3A_203 = arith.constant 0 : i32
        %dma_wait3A_204 = tpu.memref_slice %arg15[%dma_wait3A_202, %dma_wait3A_203] : memref<10000x128xf32, #tpu.memory_space<vmem_shared>> -> memref<10000x128xf32, #tpu.memory_space<vmem_shared>>
        tpu.wait_indirect_dma semaphore(%run_scoped3A : memref<!tpu.dma_semaphore, #tpu.memory_space<semaphore_mem>>) src(%arg8 : memref<64x128xf32, #tpu.memory_space<vmem>>) dst(%dma_wait3A_204 : memref<10000x128xf32, #tpu.memory_space<vmem_shared>>)
        tpu.yield
      }) : () -> ()
      %add3A_172 = arith.constant 4 : i32
      %add3A_173 = arith.addi %add3A_160, %add3A_172 : i32
      %lt3A_174 = arith.cmpi slt, %add3A_173, %select_n3A : i32
      %convert_element_type3A_175 = arith.extui %lt3A_174 : i1 to i32
      %cond3A_176 = arith.constant 0 : i32
      %cond3A_177 = arith.cmpi ne, %convert_element_type3A_175, %cond3A_176 : i32
      scf.if %cond3A_177 {
        %add3A_199 = arith.constant 4 : i32
        %add3A_200 = arith.addi %add3A_160, %add3A_199 : i32
        %mul3A_201 = arith.constant 64 : i32
        %mul3A_202 = arith.muli %add3A_200, %mul3A_201 : i32
        %dma_start3A_203 = tpu.memref_slice %arg10[%mul3A_202] : memref<10240xi32, #tpu.memory_space<vmem>> -> memref<64xi32, #tpu.memory_space<vmem>>
        %dma_start3A_204 = arith.constant 0 : i32
        %dma_start3A_205 = arith.constant 0 : i32
        %dma_start3A_206 = tpu.memref_slice %arg2[%dma_start3A_204, %dma_start3A_205] : memref<10000x128xf32, #tpu.memory_space<hbm>> -> memref<10000x128xf32, #tpu.memory_space<hbm>>
        tpu.enqueue_indirect_dma source(%dma_start3A_206 : memref<10000x128xf32, #tpu.memory_space<hbm>>) target(%arg8 : memref<64x128xf32, #tpu.memory_space<vmem>>) offsets(%dma_start3A_203 : memref<64xi32, #tpu.memory_space<vmem>>) semaphore(%arg18 : memref<!tpu.dma_semaphore, #tpu.memory_space<semaphore_mem>>)
        %mul3A_207 = arith.constant 64 : i32
        %mul3A_208 = arith.muli %add3A_200, %mul3A_207 : i32
        %add3A_209 = arith.addi %mul3A_2, %mul3A_208 : i32
        %dma_start3A_210 = tpu.memref_slice %arg4[%add3A_209] : memref<320000xi32, #tpu.memory_space<hbm>> -> memref<64xi32, #tpu.memory_space<hbm>>
        %dma_start3A_211 = tpu.memref_slice %arg4[%add3A_209] : memref<320000xi32, #tpu.memory_space<hbm>> -> memref<64xi32, #tpu.memory_space<hbm>>
        tpu.enqueue_dma source(%dma_start3A_211 : memref<64xi32, #tpu.memory_space<hbm>>) target(%arg13 : memref<64xi32, #tpu.memory_space<vmem>>) target_semaphore(%arg22 : memref<!tpu.dma_semaphore, #tpu.memory_space<semaphore_mem>>)
      } else {
      }
      %mul3A_178 = arith.constant 4 : i32
      %mul3A_179 = arith.muli %while3A_115, %mul3A_178 : i32
      %add3A_180 = arith.constant 3 : i32
      %add3A_181 = arith.addi %mul3A_179, %add3A_180 : i32
      %mul3A_182 = arith.constant 64 : i32
      %mul3A_183 = arith.muli %add3A_181, %mul3A_182 : i32
      %dma_wait3A_184 = tpu.memref_slice %arg10[%mul3A_183] : memref<10240xi32, #tpu.memory_space<vmem>> -> memref<64xi32, #tpu.memory_space<vmem>>
      %dma_wait3A_185 = arith.constant 0 : i32
      %dma_wait3A_186 = arith.constant 0 : i32
      %dma_wait3A_187 = tpu.memref_slice %arg2[%dma_wait3A_185, %dma_wait3A_186] : memref<10000x128xf32, #tpu.memory_space<hbm>> -> memref<10000x128xf32, #tpu.memory_space<hbm>>
      tpu.wait_indirect_dma semaphore(%arg19 : memref<!tpu.dma_semaphore, #tpu.memory_space<semaphore_mem>>) src(%dma_wait3A_187 : memref<10000x128xf32, #tpu.memory_space<hbm>>) dst(%arg9 : memref<64x128xf32, #tpu.memory_space<vmem>>)
      %mul3A_188 = arith.constant 64 : i32
      %mul3A_189 = arith.muli %add3A_181, %mul3A_188 : i32
      %add3A_190 = arith.addi %mul3A_2, %mul3A_189 : i32
      %dma_wait3A_191 = tpu.memref_slice %arg4[%add3A_190] : memref<320000xi32, #tpu.memory_space<hbm>> -> memref<64xi32, #tpu.memory_space<hbm>>
      %dma_wait3A_192 = tpu.memref_slice %arg4[%add3A_190] : memref<320000xi32, #tpu.memory_space<hbm>> -> memref<64xi32, #tpu.memory_space<hbm>>
      tpu.wait_dma2 semaphore(%arg23 : memref<!tpu.dma_semaphore, #tpu.memory_space<semaphore_mem>>) src(%dma_wait3A_192 : memref<64xi32, #tpu.memory_space<hbm>>) dst(%arg14 : memref<64xi32, #tpu.memory_space<vmem>>)
      "tpu.region"() ({
        %run_scoped3A = tpu.sem_alloc : memref<!tpu.dma_semaphore, #tpu.memory_space<semaphore_mem>>
        %dma_start3A_199 = arith.constant 0 : i32
        %dma_start3A_200 = arith.constant 0 : i32
        %dma_start3A_201 = tpu.memref_slice %arg15[%dma_start3A_199, %dma_start3A_200] : memref<10000x128xf32, #tpu.memory_space<vmem_shared>> -> memref<10000x128xf32, #tpu.memory_space<vmem_shared>>
        tpu.enqueue_indirect_dma source(%arg9 : memref<64x128xf32, #tpu.memory_space<vmem>>) target(%dma_start3A_201 : memref<10000x128xf32, #tpu.memory_space<vmem_shared>>) offsets(%arg14 : memref<64xi32, #tpu.memory_space<vmem>>) semaphore(%run_scoped3A : memref<!tpu.dma_semaphore, #tpu.memory_space<semaphore_mem>>) {add = true}
        %dma_wait3A_202 = arith.constant 0 : i32
        %dma_wait3A_203 = arith.constant 0 : i32
        %dma_wait3A_204 = tpu.memref_slice %arg15[%dma_wait3A_202, %dma_wait3A_203] : memref<10000x128xf32, #tpu.memory_space<vmem_shared>> -> memref<10000x128xf32, #tpu.memory_space<vmem_shared>>
        tpu.wait_indirect_dma semaphore(%run_scoped3A : memref<!tpu.dma_semaphore, #tpu.memory_space<semaphore_mem>>) src(%arg9 : memref<64x128xf32, #tpu.memory_space<vmem>>) dst(%dma_wait3A_204 : memref<10000x128xf32, #tpu.memory_space<vmem_shared>>)
        tpu.yield
      }) : () -> ()
      %add3A_193 = arith.constant 4 : i32
      %add3A_194 = arith.addi %add3A_181, %add3A_193 : i32
      %lt3A_195 = arith.cmpi slt, %add3A_194, %select_n3A : i32
      %convert_element_type3A_196 = arith.extui %lt3A_195 : i1 to i32
      %cond3A_197 = arith.constant 0 : i32
      %cond3A_198 = arith.cmpi ne, %convert_element_type3A_196, %cond3A_197 : i32
      scf.if %cond3A_198 {
        %add3A_199 = arith.constant 4 : i32
        %add3A_200 = arith.addi %add3A_181, %add3A_199 : i32
        %mul3A_201 = arith.constant 64 : i32
        %mul3A_202 = arith.muli %add3A_200, %mul3A_201 : i32
        %dma_start3A_203 = tpu.memref_slice %arg10[%mul3A_202] : memref<10240xi32, #tpu.memory_space<vmem>> -> memref<64xi32, #tpu.memory_space<vmem>>
        %dma_start3A_204 = arith.constant 0 : i32
        %dma_start3A_205 = arith.constant 0 : i32
        %dma_start3A_206 = tpu.memref_slice %arg2[%dma_start3A_204, %dma_start3A_205] : memref<10000x128xf32, #tpu.memory_space<hbm>> -> memref<10000x128xf32, #tpu.memory_space<hbm>>
        tpu.enqueue_indirect_dma source(%dma_start3A_206 : memref<10000x128xf32, #tpu.memory_space<hbm>>) target(%arg9 : memref<64x128xf32, #tpu.memory_space<vmem>>) offsets(%dma_start3A_203 : memref<64xi32, #tpu.memory_space<vmem>>) semaphore(%arg19 : memref<!tpu.dma_semaphore, #tpu.memory_space<semaphore_mem>>)
        %mul3A_207 = arith.constant 64 : i32
        %mul3A_208 = arith.muli %add3A_200, %mul3A_207 : i32
        %add3A_209 = arith.addi %mul3A_2, %mul3A_208 : i32
        %dma_start3A_210 = tpu.memref_slice %arg4[%add3A_209] : memref<320000xi32, #tpu.memory_space<hbm>> -> memref<64xi32, #tpu.memory_space<hbm>>
        %dma_start3A_211 = tpu.memref_slice %arg4[%add3A_209] : memref<320000xi32, #tpu.memory_space<hbm>> -> memref<64xi32, #tpu.memory_space<hbm>>
        tpu.enqueue_dma source(%dma_start3A_211 : memref<64xi32, #tpu.memory_space<hbm>>) target(%arg14 : memref<64xi32, #tpu.memory_space<vmem>>) target_semaphore(%arg23 : memref<!tpu.dma_semaphore, #tpu.memory_space<semaphore_mem>>)
      } else {
      }
    }
    %while3A_101 = arith.constant 1 : i32
    scf.for %while3A_115 = %while3A_99 to %while3A_95 step %while3A_101  : i32 {
      %mul3A_116 = arith.constant 4 : i32
      %mul3A_117 = arith.muli %while3A_115, %mul3A_116 : i32
      %add3A_118 = arith.constant 0 : i32
      %add3A_119 = arith.addi %mul3A_117, %add3A_118 : i32
      %mul3A_120 = arith.constant 64 : i32
      %mul3A_121 = arith.muli %add3A_119, %mul3A_120 : i32
      %dma_wait3A = tpu.memref_slice %arg10[%mul3A_121] : memref<10240xi32, #tpu.memory_space<vmem>> -> memref<64xi32, #tpu.memory_space<vmem>>
      %dma_wait3A_122 = arith.constant 0 : i32
      %dma_wait3A_123 = arith.constant 0 : i32
      %dma_wait3A_124 = tpu.memref_slice %arg2[%dma_wait3A_122, %dma_wait3A_123] : memref<10000x128xf32, #tpu.memory_space<hbm>> -> memref<10000x128xf32, #tpu.memory_space<hbm>>
      tpu.wait_indirect_dma semaphore(%arg16 : memref<!tpu.dma_semaphore, #tpu.memory_space<semaphore_mem>>) src(%dma_wait3A_124 : memref<10000x128xf32, #tpu.memory_space<hbm>>) dst(%arg6 : memref<64x128xf32, #tpu.memory_space<vmem>>)
      %mul3A_125 = arith.constant 64 : i32
      %mul3A_126 = arith.muli %add3A_119, %mul3A_125 : i32
      %add3A_127 = arith.addi %mul3A_2, %mul3A_126 : i32
      %dma_wait3A_128 = tpu.memref_slice %arg4[%add3A_127] : memref<320000xi32, #tpu.memory_space<hbm>> -> memref<64xi32, #tpu.memory_space<hbm>>
      %dma_wait3A_129 = tpu.memref_slice %arg4[%add3A_127] : memref<320000xi32, #tpu.memory_space<hbm>> -> memref<64xi32, #tpu.memory_space<hbm>>
      tpu.wait_dma2 semaphore(%arg20 : memref<!tpu.dma_semaphore, #tpu.memory_space<semaphore_mem>>) src(%dma_wait3A_129 : memref<64xi32, #tpu.memory_space<hbm>>) dst(%arg11 : memref<64xi32, #tpu.memory_space<vmem>>)
      "tpu.region"() ({
        %run_scoped3A = tpu.sem_alloc : memref<!tpu.dma_semaphore, #tpu.memory_space<semaphore_mem>>
        %dma_start3A_199 = arith.constant 0 : i32
        %dma_start3A_200 = arith.constant 0 : i32
        %dma_start3A_201 = tpu.memref_slice %arg15[%dma_start3A_199, %dma_start3A_200] : memref<10000x128xf32, #tpu.memory_space<vmem_shared>> -> memref<10000x128xf32, #tpu.memory_space<vmem_shared>>
        tpu.enqueue_indirect_dma source(%arg6 : memref<64x128xf32, #tpu.memory_space<vmem>>) target(%dma_start3A_201 : memref<10000x128xf32, #tpu.memory_space<vmem_shared>>) offsets(%arg11 : memref<64xi32, #tpu.memory_space<vmem>>) semaphore(%run_scoped3A : memref<!tpu.dma_semaphore, #tpu.memory_space<semaphore_mem>>) {add = true}
        %dma_wait3A_202 = arith.constant 0 : i32
        %dma_wait3A_203 = arith.constant 0 : i32
        %dma_wait3A_204 = tpu.memref_slice %arg15[%dma_wait3A_202, %dma_wait3A_203] : memref<10000x128xf32, #tpu.memory_space<vmem_shared>> -> memref<10000x128xf32, #tpu.memory_space<vmem_shared>>
        tpu.wait_indirect_dma semaphore(%run_scoped3A : memref<!tpu.dma_semaphore, #tpu.memory_space<semaphore_mem>>) src(%arg6 : memref<64x128xf32, #tpu.memory_space<vmem>>) dst(%dma_wait3A_204 : memref<10000x128xf32, #tpu.memory_space<vmem_shared>>)
        tpu.yield
      }) : () -> ()
      %add3A_130 = arith.constant 4 : i32
      %add3A_131 = arith.addi %add3A_119, %add3A_130 : i32
      %lt3A_132 = arith.cmpi slt, %add3A_131, %select_n3A : i32
      %convert_element_type3A_133 = arith.extui %lt3A_132 : i1 to i32
      %cond3A_134 = arith.constant 0 : i32
      %cond3A_135 = arith.cmpi ne, %convert_element_type3A_133, %cond3A_134 : i32
      scf.if %cond3A_135 {
        %add3A_199 = arith.constant 4 : i32
        %add3A_200 = arith.addi %add3A_119, %add3A_199 : i32
        %mul3A_201 = arith.constant 64 : i32
        %mul3A_202 = arith.muli %add3A_200, %mul3A_201 : i32
        %dma_start3A_203 = tpu.memref_slice %arg10[%mul3A_202] : memref<10240xi32, #tpu.memory_space<vmem>> -> memref<64xi32, #tpu.memory_space<vmem>>
        %dma_start3A_204 = arith.constant 0 : i32
        %dma_start3A_205 = arith.constant 0 : i32
        %dma_start3A_206 = tpu.memref_slice %arg2[%dma_start3A_204, %dma_start3A_205] : memref<10000x128xf32, #tpu.memory_space<hbm>> -> memref<10000x128xf32, #tpu.memory_space<hbm>>
        tpu.enqueue_indirect_dma source(%dma_start3A_206 : memref<10000x128xf32, #tpu.memory_space<hbm>>) target(%arg6 : memref<64x128xf32, #tpu.memory_space<vmem>>) offsets(%dma_start3A_203 : memref<64xi32, #tpu.memory_space<vmem>>) semaphore(%arg16 : memref<!tpu.dma_semaphore, #tpu.memory_space<semaphore_mem>>)
        %mul3A_207 = arith.constant 64 : i32
        %mul3A_208 = arith.muli %add3A_200, %mul3A_207 : i32
        %add3A_209 = arith.addi %mul3A_2, %mul3A_208 : i32
        %dma_start3A_210 = tpu.memref_slice %arg4[%add3A_209] : memref<320000xi32, #tpu.memory_space<hbm>> -> memref<64xi32, #tpu.memory_space<hbm>>
        %dma_start3A_211 = tpu.memref_slice %arg4[%add3A_209] : memref<320000xi32, #tpu.memory_space<hbm>> -> memref<64xi32, #tpu.memory_space<hbm>>
        tpu.enqueue_dma source(%dma_start3A_211 : memref<64xi32, #tpu.memory_space<hbm>>) target(%arg11 : memref<64xi32, #tpu.memory_space<vmem>>) target_semaphore(%arg20 : memref<!tpu.dma_semaphore, #tpu.memory_space<semaphore_mem>>)
      } else {
      }
      %mul3A_136 = arith.constant 4 : i32
      %mul3A_137 = arith.muli %while3A_115, %mul3A_136 : i32
      %add3A_138 = arith.constant 1 : i32
      %add3A_139 = arith.addi %mul3A_137, %add3A_138 : i32
      %mul3A_140 = arith.constant 64 : i32
      %mul3A_141 = arith.muli %add3A_139, %mul3A_140 : i32
      %dma_wait3A_142 = tpu.memref_slice %arg10[%mul3A_141] : memref<10240xi32, #tpu.memory_space<vmem>> -> memref<64xi32, #tpu.memory_space<vmem>>
      %dma_wait3A_143 = arith.constant 0 : i32
      %dma_wait3A_144 = arith.constant 0 : i32
      %dma_wait3A_145 = tpu.memref_slice %arg2[%dma_wait3A_143, %dma_wait3A_144] : memref<10000x128xf32, #tpu.memory_space<hbm>> -> memref<10000x128xf32, #tpu.memory_space<hbm>>
      tpu.wait_indirect_dma semaphore(%arg17 : memref<!tpu.dma_semaphore, #tpu.memory_space<semaphore_mem>>) src(%dma_wait3A_145 : memref<10000x128xf32, #tpu.memory_space<hbm>>) dst(%arg7 : memref<64x128xf32, #tpu.memory_space<vmem>>)
      %mul3A_146 = arith.constant 64 : i32
      %mul3A_147 = arith.muli %add3A_139, %mul3A_146 : i32
      %add3A_148 = arith.addi %mul3A_2, %mul3A_147 : i32
      %dma_wait3A_149 = tpu.memref_slice %arg4[%add3A_148] : memref<320000xi32, #tpu.memory_space<hbm>> -> memref<64xi32, #tpu.memory_space<hbm>>
      %dma_wait3A_150 = tpu.memref_slice %arg4[%add3A_148] : memref<320000xi32, #tpu.memory_space<hbm>> -> memref<64xi32, #tpu.memory_space<hbm>>
      tpu.wait_dma2 semaphore(%arg21 : memref<!tpu.dma_semaphore, #tpu.memory_space<semaphore_mem>>) src(%dma_wait3A_150 : memref<64xi32, #tpu.memory_space<hbm>>) dst(%arg12 : memref<64xi32, #tpu.memory_space<vmem>>)
      "tpu.region"() ({
        %run_scoped3A = tpu.sem_alloc : memref<!tpu.dma_semaphore, #tpu.memory_space<semaphore_mem>>
        %dma_start3A_199 = arith.constant 0 : i32
        %dma_start3A_200 = arith.constant 0 : i32
        %dma_start3A_201 = tpu.memref_slice %arg15[%dma_start3A_199, %dma_start3A_200] : memref<10000x128xf32, #tpu.memory_space<vmem_shared>> -> memref<10000x128xf32, #tpu.memory_space<vmem_shared>>
        tpu.enqueue_indirect_dma source(%arg7 : memref<64x128xf32, #tpu.memory_space<vmem>>) target(%dma_start3A_201 : memref<10000x128xf32, #tpu.memory_space<vmem_shared>>) offsets(%arg12 : memref<64xi32, #tpu.memory_space<vmem>>) semaphore(%run_scoped3A : memref<!tpu.dma_semaphore, #tpu.memory_space<semaphore_mem>>) {add = true}
        %dma_wait3A_202 = arith.constant 0 : i32
        %dma_wait3A_203 = arith.constant 0 : i32
        %dma_wait3A_204 = tpu.memref_slice %arg15[%dma_wait3A_202, %dma_wait3A_203] : memref<10000x128xf32, #tpu.memory_space<vmem_shared>> -> memref<10000x128xf32, #tpu.memory_space<vmem_shared>>
        tpu.wait_indirect_dma semaphore(%run_scoped3A : memref<!tpu.dma_semaphore, #tpu.memory_space<semaphore_mem>>) src(%arg7 : memref<64x128xf32, #tpu.memory_space<vmem>>) dst(%dma_wait3A_204 : memref<10000x128xf32, #tpu.memory_space<vmem_shared>>)
        tpu.yield
      }) : () -> ()
      %add3A_151 = arith.constant 4 : i32
      %add3A_152 = arith.addi %add3A_139, %add3A_151 : i32
      %lt3A_153 = arith.cmpi slt, %add3A_152, %select_n3A : i32
      %convert_element_type3A_154 = arith.extui %lt3A_153 : i1 to i32
      %cond3A_155 = arith.constant 0 : i32
      %cond3A_156 = arith.cmpi ne, %convert_element_type3A_154, %cond3A_155 : i32
      scf.if %cond3A_156 {
        %add3A_199 = arith.constant 4 : i32
        %add3A_200 = arith.addi %add3A_139, %add3A_199 : i32
        %mul3A_201 = arith.constant 64 : i32
        %mul3A_202 = arith.muli %add3A_200, %mul3A_201 : i32
        %dma_start3A_203 = tpu.memref_slice %arg10[%mul3A_202] : memref<10240xi32, #tpu.memory_space<vmem>> -> memref<64xi32, #tpu.memory_space<vmem>>
        %dma_start3A_204 = arith.constant 0 : i32
        %dma_start3A_205 = arith.constant 0 : i32
        %dma_start3A_206 = tpu.memref_slice %arg2[%dma_start3A_204, %dma_start3A_205] : memref<10000x128xf32, #tpu.memory_space<hbm>> -> memref<10000x128xf32, #tpu.memory_space<hbm>>
        tpu.enqueue_indirect_dma source(%dma_start3A_206 : memref<10000x128xf32, #tpu.memory_space<hbm>>) target(%arg7 : memref<64x128xf32, #tpu.memory_space<vmem>>) offsets(%dma_start3A_203 : memref<64xi32, #tpu.memory_space<vmem>>) semaphore(%arg17 : memref<!tpu.dma_semaphore, #tpu.memory_space<semaphore_mem>>)
        %mul3A_207 = arith.constant 64 : i32
        %mul3A_208 = arith.muli %add3A_200, %mul3A_207 : i32
        %add3A_209 = arith.addi %mul3A_2, %mul3A_208 : i32
        %dma_start3A_210 = tpu.memref_slice %arg4[%add3A_209] : memref<320000xi32, #tpu.memory_space<hbm>> -> memref<64xi32, #tpu.memory_space<hbm>>
        %dma_start3A_211 = tpu.memref_slice %arg4[%add3A_209] : memref<320000xi32, #tpu.memory_space<hbm>> -> memref<64xi32, #tpu.memory_space<hbm>>
        tpu.enqueue_dma source(%dma_start3A_211 : memref<64xi32, #tpu.memory_space<hbm>>) target(%arg12 : memref<64xi32, #tpu.memory_space<vmem>>) target_semaphore(%arg21 : memref<!tpu.dma_semaphore, #tpu.memory_space<semaphore_mem>>)
      } else {
      }
      %mul3A_157 = arith.constant 4 : i32
      %mul3A_158 = arith.muli %while3A_115, %mul3A_157 : i32
      %add3A_159 = arith.constant 2 : i32
      %add3A_160 = arith.addi %mul3A_158, %add3A_159 : i32
      %mul3A_161 = arith.constant 64 : i32
      %mul3A_162 = arith.muli %add3A_160, %mul3A_161 : i32
      %dma_wait3A_163 = tpu.memref_slice %arg10[%mul3A_162] : memref<10240xi32, #tpu.memory_space<vmem>> -> memref<64xi32, #tpu.memory_space<vmem>>
      %dma_wait3A_164 = arith.constant 0 : i32
      %dma_wait3A_165 = arith.constant 0 : i32
      %dma_wait3A_166 = tpu.memref_slice %arg2[%dma_wait3A_164, %dma_wait3A_165] : memref<10000x128xf32, #tpu.memory_space<hbm>> -> memref<10000x128xf32, #tpu.memory_space<hbm>>
      tpu.wait_indirect_dma semaphore(%arg18 : memref<!tpu.dma_semaphore, #tpu.memory_space<semaphore_mem>>) src(%dma_wait3A_166 : memref<10000x128xf32, #tpu.memory_space<hbm>>) dst(%arg8 : memref<64x128xf32, #tpu.memory_space<vmem>>)
      %mul3A_167 = arith.constant 64 : i32
      %mul3A_168 = arith.muli %add3A_160, %mul3A_167 : i32
      %add3A_169 = arith.addi %mul3A_2, %mul3A_168 : i32
      %dma_wait3A_170 = tpu.memref_slice %arg4[%add3A_169] : memref<320000xi32, #tpu.memory_space<hbm>> -> memref<64xi32, #tpu.memory_space<hbm>>
      %dma_wait3A_171 = tpu.memref_slice %arg4[%add3A_169] : memref<320000xi32, #tpu.memory_space<hbm>> -> memref<64xi32, #tpu.memory_space<hbm>>
      tpu.wait_dma2 semaphore(%arg22 : memref<!tpu.dma_semaphore, #tpu.memory_space<semaphore_mem>>) src(%dma_wait3A_171 : memref<64xi32, #tpu.memory_space<hbm>>) dst(%arg13 : memref<64xi32, #tpu.memory_space<vmem>>)
      "tpu.region"() ({
        %run_scoped3A = tpu.sem_alloc : memref<!tpu.dma_semaphore, #tpu.memory_space<semaphore_mem>>
        %dma_start3A_199 = arith.constant 0 : i32
        %dma_start3A_200 = arith.constant 0 : i32
        %dma_start3A_201 = tpu.memref_slice %arg15[%dma_start3A_199, %dma_start3A_200] : memref<10000x128xf32, #tpu.memory_space<vmem_shared>> -> memref<10000x128xf32, #tpu.memory_space<vmem_shared>>
        tpu.enqueue_indirect_dma source(%arg8 : memref<64x128xf32, #tpu.memory_space<vmem>>) target(%dma_start3A_201 : memref<10000x128xf32, #tpu.memory_space<vmem_shared>>) offsets(%arg13 : memref<64xi32, #tpu.memory_space<vmem>>) semaphore(%run_scoped3A : memref<!tpu.dma_semaphore, #tpu.memory_space<semaphore_mem>>) {add = true}
        %dma_wait3A_202 = arith.constant 0 : i32
        %dma_wait3A_203 = arith.constant 0 : i32
        %dma_wait3A_204 = tpu.memref_slice %arg15[%dma_wait3A_202, %dma_wait3A_203] : memref<10000x128xf32, #tpu.memory_space<vmem_shared>> -> memref<10000x128xf32, #tpu.memory_space<vmem_shared>>
        tpu.wait_indirect_dma semaphore(%run_scoped3A : memref<!tpu.dma_semaphore, #tpu.memory_space<semaphore_mem>>) src(%arg8 : memref<64x128xf32, #tpu.memory_space<vmem>>) dst(%dma_wait3A_204 : memref<10000x128xf32, #tpu.memory_space<vmem_shared>>)
        tpu.yield
      }) : () -> ()
      %add3A_172 = arith.constant 4 : i32
      %add3A_173 = arith.addi %add3A_160, %add3A_172 : i32
      %lt3A_174 = arith.cmpi slt, %add3A_173, %select_n3A : i32
      %convert_element_type3A_175 = arith.extui %lt3A_174 : i1 to i32
      %cond3A_176 = arith.constant 0 : i32
      %cond3A_177 = arith.cmpi ne, %convert_element_type3A_175, %cond3A_176 : i32
      scf.if %cond3A_177 {
        %add3A_199 = arith.constant 4 : i32
        %add3A_200 = arith.addi %add3A_160, %add3A_199 : i32
        %mul3A_201 = arith.constant 64 : i32
        %mul3A_202 = arith.muli %add3A_200, %mul3A_201 : i32
        %dma_start3A_203 = tpu.memref_slice %arg10[%mul3A_202] : memref<10240xi32, #tpu.memory_space<vmem>> -> memref<64xi32, #tpu.memory_space<vmem>>
        %dma_start3A_204 = arith.constant 0 : i32
        %dma_start3A_205 = arith.constant 0 : i32
        %dma_start3A_206 = tpu.memref_slice %arg2[%dma_start3A_204, %dma_start3A_205] : memref<10000x128xf32, #tpu.memory_space<hbm>> -> memref<10000x128xf32, #tpu.memory_space<hbm>>
        tpu.enqueue_indirect_dma source(%dma_start3A_206 : memref<10000x128xf32, #tpu.memory_space<hbm>>) target(%arg8 : memref<64x128xf32, #tpu.memory_space<vmem>>) offsets(%dma_start3A_203 : memref<64xi32, #tpu.memory_space<vmem>>) semaphore(%arg18 : memref<!tpu.dma_semaphore, #tpu.memory_space<semaphore_mem>>)
        %mul3A_207 = arith.constant 64 : i32
        %mul3A_208 = arith.muli %add3A_200, %mul3A_207 : i32
        %add3A_209 = arith.addi %mul3A_2, %mul3A_208 : i32
        %dma_start3A_210 = tpu.memref_slice %arg4[%add3A_209] : memref<320000xi32, #tpu.memory_space<hbm>> -> memref<64xi32, #tpu.memory_space<hbm>>
        %dma_start3A_211 = tpu.memref_slice %arg4[%add3A_209] : memref<320000xi32, #tpu.memory_space<hbm>> -> memref<64xi32, #tpu.memory_space<hbm>>
        tpu.enqueue_dma source(%dma_start3A_211 : memref<64xi32, #tpu.memory_space<hbm>>) target(%arg13 : memref<64xi32, #tpu.memory_space<vmem>>) target_semaphore(%arg22 : memref<!tpu.dma_semaphore, #tpu.memory_space<semaphore_mem>>)
      } else {
      }
      %mul3A_178 = arith.constant 4 : i32
      %mul3A_179 = arith.muli %while3A_115, %mul3A_178 : i32
      %add3A_180 = arith.constant 3 : i32
      %add3A_181 = arith.addi %mul3A_179, %add3A_180 : i32
      %mul3A_182 = arith.constant 64 : i32
      %mul3A_183 = arith.muli %add3A_181, %mul3A_182 : i32
      %dma_wait3A_184 = tpu.memref_slice %arg10[%mul3A_183] : memref<10240xi32, #tpu.memory_space<vmem>> -> memref<64xi32, #tpu.memory_space<vmem>>
      %dma_wait3A_185 = arith.constant 0 : i32
      %dma_wait3A_186 = arith.constant 0 : i32
      %dma_wait3A_187 = tpu.memref_slice %arg2[%dma_wait3A_185, %dma_wait3A_186] : memref<10000x128xf32, #tpu.memory_space<hbm>> -> memref<10000x128xf32, #tpu.memory_space<hbm>>
      tpu.wait_indirect_dma semaphore(%arg19 : memref<!tpu.dma_semaphore, #tpu.memory_space<semaphore_mem>>) src(%dma_wait3A_187 : memref<10000x128xf32, #tpu.memory_space<hbm>>) dst(%arg9 : memref<64x128xf32, #tpu.memory_space<vmem>>)
      %mul3A_188 = arith.constant 64 : i32
      %mul3A_189 = arith.muli %add3A_181, %mul3A_188 : i32
      %add3A_190 = arith.addi %mul3A_2, %mul3A_189 : i32
      %dma_wait3A_191 = tpu.memref_slice %arg4[%add3A_190] : memref<320000xi32, #tpu.memory_space<hbm>> -> memref<64xi32, #tpu.memory_space<hbm>>
      %dma_wait3A_192 = tpu.memref_slice %arg4[%add3A_190] : memref<320000xi32, #tpu.memory_space<hbm>> -> memref<64xi32, #tpu.memory_space<hbm>>
      tpu.wait_dma2 semaphore(%arg23 : memref<!tpu.dma_semaphore, #tpu.memory_space<semaphore_mem>>) src(%dma_wait3A_192 : memref<64xi32, #tpu.memory_space<hbm>>) dst(%arg14 : memref<64xi32, #tpu.memory_space<vmem>>)
      "tpu.region"() ({
        %run_scoped3A = tpu.sem_alloc : memref<!tpu.dma_semaphore, #tpu.memory_space<semaphore_mem>>
        %dma_start3A_199 = arith.constant 0 : i32
        %dma_start3A_200 = arith.constant 0 : i32
        %dma_start3A_201 = tpu.memref_slice %arg15[%dma_start3A_199, %dma_start3A_200] : memref<10000x128xf32, #tpu.memory_space<vmem_shared>> -> memref<10000x128xf32, #tpu.memory_space<vmem_shared>>
        tpu.enqueue_indirect_dma source(%arg9 : memref<64x128xf32, #tpu.memory_space<vmem>>) target(%dma_start3A_201 : memref<10000x128xf32, #tpu.memory_space<vmem_shared>>) offsets(%arg14 : memref<64xi32, #tpu.memory_space<vmem>>) semaphore(%run_scoped3A : memref<!tpu.dma_semaphore, #tpu.memory_space<semaphore_mem>>) {add = true}
        %dma_wait3A_202 = arith.constant 0 : i32
        %dma_wait3A_203 = arith.constant 0 : i32
        %dma_wait3A_204 = tpu.memref_slice %arg15[%dma_wait3A_202, %dma_wait3A_203] : memref<10000x128xf32, #tpu.memory_space<vmem_shared>> -> memref<10000x128xf32, #tpu.memory_space<vmem_shared>>
        tpu.wait_indirect_dma semaphore(%run_scoped3A : memref<!tpu.dma_semaphore, #tpu.memory_space<semaphore_mem>>) src(%arg9 : memref<64x128xf32, #tpu.memory_space<vmem>>) dst(%dma_wait3A_204 : memref<10000x128xf32, #tpu.memory_space<vmem_shared>>)
        tpu.yield
      }) : () -> ()
      %add3A_193 = arith.constant 4 : i32
      %add3A_194 = arith.addi %add3A_181, %add3A_193 : i32
      %lt3A_195 = arith.cmpi slt, %add3A_194, %select_n3A : i32
      %convert_element_type3A_196 = arith.extui %lt3A_195 : i1 to i32
      %cond3A_197 = arith.constant 0 : i32
      %cond3A_198 = arith.cmpi ne, %convert_element_type3A_196, %cond3A_197 : i32
      scf.if %cond3A_198 {
        %add3A_199 = arith.constant 4 : i32
        %add3A_200 = arith.addi %add3A_181, %add3A_199 : i32
        %mul3A_201 = arith.constant 64 : i32
        %mul3A_202 = arith.muli %add3A_200, %mul3A_201 : i32
        %dma_start3A_203 = tpu.memref_slice %arg10[%mul3A_202] : memref<10240xi32, #tpu.memory_space<vmem>> -> memref<64xi32, #tpu.memory_space<vmem>>
        %dma_start3A_204 = arith.constant 0 : i32
        %dma_start3A_205 = arith.constant 0 : i32
        %dma_start3A_206 = tpu.memref_slice %arg2[%dma_start3A_204, %dma_start3A_205] : memref<10000x128xf32, #tpu.memory_space<hbm>> -> memref<10000x128xf32, #tpu.memory_space<hbm>>
        tpu.enqueue_indirect_dma source(%dma_start3A_206 : memref<10000x128xf32, #tpu.memory_space<hbm>>) target(%arg9 : memref<64x128xf32, #tpu.memory_space<vmem>>) offsets(%dma_start3A_203 : memref<64xi32, #tpu.memory_space<vmem>>) semaphore(%arg19 : memref<!tpu.dma_semaphore, #tpu.memory_space<semaphore_mem>>)
        %mul3A_207 = arith.constant 64 : i32
        %mul3A_208 = arith.muli %add3A_200, %mul3A_207 : i32
        %add3A_209 = arith.addi %mul3A_2, %mul3A_208 : i32
        %dma_start3A_210 = tpu.memref_slice %arg4[%add3A_209] : memref<320000xi32, #tpu.memory_space<hbm>> -> memref<64xi32, #tpu.memory_space<hbm>>
        %dma_start3A_211 = tpu.memref_slice %arg4[%add3A_209] : memref<320000xi32, #tpu.memory_space<hbm>> -> memref<64xi32, #tpu.memory_space<hbm>>
        tpu.enqueue_dma source(%dma_start3A_211 : memref<64xi32, #tpu.memory_space<hbm>>) target(%arg14 : memref<64xi32, #tpu.memory_space<vmem>>) target_semaphore(%arg23 : memref<!tpu.dma_semaphore, #tpu.memory_space<semaphore_mem>>)
      } else {
      }
    }
    %barrier3A_102 = arith.constant 0 : index
    tpu.barrier barrier_id(%barrier3A_102)
    %scan3A_103 = arith.constant 0 : i32
    %scan3A_104 = arith.constant 0 : i32
    %scan3A_105 = arith.constant 16 : i32
    %scan3A_106 = arith.addi %scan3A_104, %scan3A_105 : i32
    %scan3A_107 = arith.constant 1 : i32
    scf.for %scan3A_115 = %scan3A_104 to %scan3A_106 step %scan3A_107  : i32 {
      %mul3A_116 = arith.constant 16 : i32
      %mul3A_117 = arith.muli %arg1, %mul3A_116 : i32
      %add3A_118 = arith.addi %mul3A_117, %scan3A_115 : i32
      %lt3A_119 = arith.constant 250 : i32
      %lt3A_120 = arith.cmpi slt, %add3A_118, %lt3A_119 : i32
      %convert_element_type3A_121 = arith.extui %lt3A_120 : i1 to i32
      %cond3A_122 = arith.constant 0 : i32
      %cond3A_123 = arith.cmpi ne, %convert_element_type3A_121, %cond3A_122 : i32
      scf.if %cond3A_123 {
        %mul3A_124 = arith.constant 40 : i32
        %mul3A_125 = arith.muli %add3A_118, %mul3A_124 : i32
        %mul3A_126 = arith.constant 40 : i32
        %mul3A_127 = arith.muli %add3A_118, %mul3A_126 : i32
        %dma_start3A_128 = arith.constant 0 : i32
        %dma_start3A_129 = tpu.memref_slice %arg5[%arg0, %mul3A_127, %dma_start3A_128] : memref<2x10000x128xf32, #tpu.memory_space<hbm>> -> memref<1x40x128xf32, #tpu.memory_space<hbm>>
        %dma_start3A_130 = tpu.memref_squeeze %dma_start3A_129 : memref<1x40x128xf32, #tpu.memory_space<hbm>> -> memref<40x128xf32, #tpu.memory_space<hbm>>
        %dma_start3A_131 = arith.constant 0 : i32
        %dma_start3A_132 = tpu.memref_slice %arg15[%mul3A_125, %dma_start3A_131] : memref<10000x128xf32, #tpu.memory_space<vmem_shared>> -> memref<40x128xf32, #tpu.memory_space<vmem_shared>>
        tpu.enqueue_dma source(%dma_start3A_132 : memref<40x128xf32, #tpu.memory_space<vmem_shared>>) target(%dma_start3A_130 : memref<40x128xf32, #tpu.memory_space<hbm>>) target_semaphore(%arg20 : memref<!tpu.dma_semaphore, #tpu.memory_space<semaphore_mem>>)
      } else {
      }
    }
    %scan3A_108 = arith.constant 16 : i32
    %scan3A_109 = arith.constant 0 : i32
    %scan3A_110 = arith.constant 0 : i32
    %scan3A_111 = arith.constant 16 : i32
    %scan3A_112 = arith.addi %scan3A_110, %scan3A_111 : i32
    %scan3A_113 = arith.constant 1 : i32
    scf.for %scan3A_115 = %scan3A_110 to %scan3A_112 step %scan3A_113  : i32 {
      %mul3A_116 = arith.constant 16 : i32
      %mul3A_117 = arith.muli %arg1, %mul3A_116 : i32
      %add3A_118 = arith.addi %mul3A_117, %scan3A_115 : i32
      %lt3A_119 = arith.constant 250 : i32
      %lt3A_120 = arith.cmpi slt, %add3A_118, %lt3A_119 : i32
      %convert_element_type3A_121 = arith.extui %lt3A_120 : i1 to i32
      %cond3A_122 = arith.constant 0 : i32
      %cond3A_123 = arith.cmpi ne, %convert_element_type3A_121, %cond3A_122 : i32
      scf.if %cond3A_123 {
        %mul3A_124 = arith.constant 40 : i32
        %mul3A_125 = arith.muli %add3A_118, %mul3A_124 : i32
        %mul3A_126 = arith.constant 40 : i32
        %mul3A_127 = arith.muli %add3A_118, %mul3A_126 : i32
        %dma_wait3A = arith.constant 0 : i32
        %dma_wait3A_128 = tpu.memref_slice %arg5[%arg0, %mul3A_127, %dma_wait3A] : memref<2x10000x128xf32, #tpu.memory_space<hbm>> -> memref<1x40x128xf32, #tpu.memory_space<hbm>>
        %dma_wait3A_129 = tpu.memref_squeeze %dma_wait3A_128 : memref<1x40x128xf32, #tpu.memory_space<hbm>> -> memref<40x128xf32, #tpu.memory_space<hbm>>
        %dma_wait3A_130 = arith.constant 0 : i32
        %dma_wait3A_131 = tpu.memref_slice %arg15[%mul3A_125, %dma_wait3A_130] : memref<10000x128xf32, #tpu.memory_space<vmem_shared>> -> memref<40x128xf32, #tpu.memory_space<vmem_shared>>
        tpu.wait_dma2 semaphore(%arg20 : memref<!tpu.dma_semaphore, #tpu.memory_space<semaphore_mem>>) src(%dma_wait3A_131 : memref<40x128xf32, #tpu.memory_space<vmem_shared>>) dst(%dma_wait3A_129 : memref<40x128xf32, #tpu.memory_space<hbm>>)
      } else {
      }
    }
    %scan3A_114 = arith.constant 16 : i32
    return
  }
}

module attributes {stable_mosaic.version = 14 : i64} {
  func.func @_tc_body(%arg0: i32, %arg1: memref<2x1000x128xf32, #tpu.memory_space<vmem>>, %arg2: memref<1000x128xf32, #tpu.memory_space<vmem>>, %arg3: memref<1000x1xi32, #tpu.memory_space<vmem>>, %arg4: memref<5x128x128xf32, #tpu.memory_space<vmem>>, %arg5: memref<5x128x128xf32, #tpu.memory_space<vmem>>, %arg6: memref<5x128xf32, #tpu.memory_space<vmem>>, %arg7: memref<1x128xf32, #tpu.memory_space<vmem>>, %arg8: memref<1x128xf32, #tpu.memory_space<vmem>>, %arg9: memref<128x96xf32, #tpu.memory_space<vmem>>, %arg10: memref<1x96xf32, #tpu.memory_space<vmem>>, %arg11: memref<64x96xf32, #tpu.memory_space<vmem>>, %arg12: memref<1x128xf32, #tpu.memory_space<vmem>>, %arg13: memref<1x128xf32, #tpu.memory_space<vmem>>, %arg14: memref<64x128xf32, #tpu.memory_space<vmem>>) attributes {dimension_semantics = [#tpu.dimension_semantics<arbitrary>], iteration_bounds = array<i64: 10>, scalar_prefetch = 0 : i64, scratch_operands = 3 : i64, tpu.core_type = #tpu.core_type<tc>, window_params = [{transform_indices = @transform_0, window_bounds = array<i64: 2, 1000, 128>}, {transform_indices = @transform_1, window_bounds = array<i64: 1000, 128>}, {transform_indices = @transform_2, window_bounds = array<i64: 1000, 1>}, {pipeline_mode = #tpu.pipeline_mode<synchronous>, transform_indices = @transform_3, window_bounds = array<i64: 5, 128, 128>}, {pipeline_mode = #tpu.pipeline_mode<synchronous>, transform_indices = @transform_4, window_bounds = array<i64: 5, 128, 128>}, {pipeline_mode = #tpu.pipeline_mode<synchronous>, transform_indices = @transform_5, window_bounds = array<i64: 5, 128>}, {pipeline_mode = #tpu.pipeline_mode<synchronous>, transform_indices = @transform_6, window_bounds = array<i64: 1, 128>}, {pipeline_mode = #tpu.pipeline_mode<synchronous>, transform_indices = @transform_7, window_bounds = array<i64: 1, 128>}, {pipeline_mode = #tpu.pipeline_mode<synchronous>, transform_indices = @transform_8, window_bounds = array<i64: 128, 96>}, {pipeline_mode = #tpu.pipeline_mode<synchronous>, transform_indices = @transform_9, window_bounds = array<i64: 1, 96>}, {pipeline_mode = #tpu.pipeline_mode<synchronous>, transform_indices = @transform_10, window_bounds = array<i64: 64, 96>}]} {
    %eq3A = arith.constant 0 : i32
    %eq3A_0 = arith.cmpi eq, %arg0, %eq3A : i32
    %convert_element_type3A = arith.extui %eq3A_0 : i1 to i32
    %cond3A = arith.constant 0 : i32
    %cond3A_1 = arith.cmpi ne, %convert_element_type3A, %cond3A : i32
    scf.if %cond3A_1 {
      %broadcast_in_dim3A_127 = arith.constant 0.000000e+00 : f32
      %broadcast_in_dim3A_128 = vector.broadcast %broadcast_in_dim3A_127 : f32 to vector<1x128xf32>
      %swap3A_129 = arith.constant 0 : index
      %swap3A_130 = arith.constant 0 : index
      %swap3A_131 = vector.load %arg12[%swap3A_129, %swap3A_130] : memref<1x128xf32, #tpu.memory_space<vmem>>, vector<1x128xf32>
      tpu.vector_store %arg12[%swap3A_129, %swap3A_130], %broadcast_in_dim3A_128 {strides = array<i32>} : memref<1x128xf32, #tpu.memory_space<vmem>>, vector<1x128xf32>,
      %broadcast_in_dim3A_132 = arith.constant 0.000000e+00 : f32
      %broadcast_in_dim3A_133 = vector.broadcast %broadcast_in_dim3A_132 : f32 to vector<1x128xf32>
      %swap3A_134 = arith.constant 0 : index
      %swap3A_135 = arith.constant 0 : index
      %swap3A_136 = vector.load %arg13[%swap3A_134, %swap3A_135] : memref<1x128xf32, #tpu.memory_space<vmem>>, vector<1x128xf32>
      tpu.vector_store %arg13[%swap3A_134, %swap3A_135], %broadcast_in_dim3A_133 {strides = array<i32>} : memref<1x128xf32, #tpu.memory_space<vmem>>, vector<1x128xf32>,
      %broadcast_in_dim3A_137 = arith.constant -1.000000e+30 : f32
      %broadcast_in_dim3A_138 = vector.broadcast %broadcast_in_dim3A_137 : f32 to vector<64x128xf32>
      %swap3A_139 = arith.constant 0 : index
      %swap3A_140 = arith.constant 0 : index
      %swap3A_141 = vector.load %arg14[%swap3A_139, %swap3A_140] : memref<64x128xf32, #tpu.memory_space<vmem>>, vector<64x128xf32>
      tpu.vector_store %arg14[%swap3A_139, %swap3A_140], %broadcast_in_dim3A_138 {strides = array<i32>} : memref<64x128xf32, #tpu.memory_space<vmem>>, vector<64x128xf32>,
    } else {
    }
    %get3A = arith.constant 0 : index
    %get3A_2 = arith.constant 0 : index
    %get3A_3 = arith.constant 0 : index
    %get3A_4 = vector.load %arg4[%get3A, %get3A_2, %get3A_3] : memref<5x128x128xf32, #tpu.memory_space<vmem>>, vector<1x128x128xf32>
    %get3A_5 = vector.shape_cast %get3A_4 : vector<1x128x128xf32> to vector<128x128xf32>
    %get3A_6 = arith.constant 1 : index
    %get3A_7 = arith.constant 0 : index
    %get3A_8 = arith.constant 0 : index
    %get3A_9 = vector.load %arg4[%get3A_6, %get3A_7, %get3A_8] : memref<5x128x128xf32, #tpu.memory_space<vmem>>, vector<1x128x128xf32>
    %get3A_10 = vector.shape_cast %get3A_9 : vector<1x128x128xf32> to vector<128x128xf32>
    %add3A = arith.addf %get3A_5, %get3A_10 : vector<128x128xf32>
    %get3A_11 = arith.constant 2 : index
    %get3A_12 = arith.constant 0 : index
    %get3A_13 = arith.constant 0 : index
    %get3A_14 = vector.load %arg4[%get3A_11, %get3A_12, %get3A_13] : memref<5x128x128xf32, #tpu.memory_space<vmem>>, vector<1x128x128xf32>
    %get3A_15 = vector.shape_cast %get3A_14 : vector<1x128x128xf32> to vector<128x128xf32>
    %add3A_16 = arith.addf %add3A, %get3A_15 : vector<128x128xf32>
    %get3A_17 = arith.constant 3 : index
    %get3A_18 = arith.constant 0 : index
    %get3A_19 = arith.constant 0 : index
    %get3A_20 = vector.load %arg4[%get3A_17, %get3A_18, %get3A_19] : memref<5x128x128xf32, #tpu.memory_space<vmem>>, vector<1x128x128xf32>
    %get3A_21 = vector.shape_cast %get3A_20 : vector<1x128x128xf32> to vector<128x128xf32>
    %add3A_22 = arith.addf %add3A_16, %get3A_21 : vector<128x128xf32>
    %get3A_23 = arith.constant 4 : index
    %get3A_24 = arith.constant 0 : index
    %get3A_25 = arith.constant 0 : index
    %get3A_26 = vector.load %arg4[%get3A_23, %get3A_24, %get3A_25] : memref<5x128x128xf32, #tpu.memory_space<vmem>>, vector<1x128x128xf32>
    %get3A_27 = vector.shape_cast %get3A_26 : vector<1x128x128xf32> to vector<128x128xf32>
    %add3A_28 = arith.addf %add3A_22, %get3A_27 : vector<128x128xf32>
    %get3A_29 = arith.constant 0 : index
    %get3A_30 = arith.constant 0 : index
    %get3A_31 = arith.constant 0 : index
    %get3A_32 = vector.load %arg5[%get3A_29, %get3A_30, %get3A_31] : memref<5x128x128xf32, #tpu.memory_space<vmem>>, vector<1x128x128xf32>
    %get3A_33 = vector.shape_cast %get3A_32 : vector<1x128x128xf32> to vector<128x128xf32>
    %get3A_34 = arith.constant 1 : index
    %get3A_35 = arith.constant 0 : index
    %get3A_36 = arith.constant 0 : index
    %get3A_37 = vector.load %arg5[%get3A_34, %get3A_35, %get3A_36] : memref<5x128x128xf32, #tpu.memory_space<vmem>>, vector<1x128x128xf32>
    %get3A_38 = vector.shape_cast %get3A_37 : vector<1x128x128xf32> to vector<128x128xf32>
    %add3A_39 = arith.addf %get3A_33, %get3A_38 : vector<128x128xf32>
    %get3A_40 = arith.constant 2 : index
    %get3A_41 = arith.constant 0 : index
    %get3A_42 = arith.constant 0 : index
    %get3A_43 = vector.load %arg5[%get3A_40, %get3A_41, %get3A_42] : memref<5x128x128xf32, #tpu.memory_space<vmem>>, vector<1x128x128xf32>
    %get3A_44 = vector.shape_cast %get3A_43 : vector<1x128x128xf32> to vector<128x128xf32>
    %add3A_45 = arith.addf %add3A_39, %get3A_44 : vector<128x128xf32>
    %get3A_46 = arith.constant 3 : index
    %get3A_47 = arith.constant 0 : index
    %get3A_48 = arith.constant 0 : index
    %get3A_49 = vector.load %arg5[%get3A_46, %get3A_47, %get3A_48] : memref<5x128x128xf32, #tpu.memory_space<vmem>>, vector<1x128x128xf32>
    %get3A_50 = vector.shape_cast %get3A_49 : vector<1x128x128xf32> to vector<128x128xf32>
    %add3A_51 = arith.addf %add3A_45, %get3A_50 : vector<128x128xf32>
    %get3A_52 = arith.constant 4 : index
    %get3A_53 = arith.constant 0 : index
    %get3A_54 = arith.constant 0 : index
    %get3A_55 = vector.load %arg5[%get3A_52, %get3A_53, %get3A_54] : memref<5x128x128xf32, #tpu.memory_space<vmem>>, vector<1x128x128xf32>
    %get3A_56 = vector.shape_cast %get3A_55 : vector<1x128x128xf32> to vector<128x128xf32>
    %add3A_57 = arith.addf %add3A_51, %get3A_56 : vector<128x128xf32>
    %get3A_58 = arith.constant 0 : index
    %get3A_59 = arith.constant 0 : index
    %get3A_60 = vector.load %arg6[%get3A_58, %get3A_59] : memref<5x128xf32, #tpu.memory_space<vmem>>, vector<5x128xf32>
    %reduce_sum3A = arith.constant dense<0.000000e+00> : vector<128xf32>
    %reduce_sum3A_61 = vector.multi_reduction <add>, %get3A_60, %reduce_sum3A [0] : vector<5x128xf32> to vector<128xf32>
    %broadcast_in_dim3A = vector.shape_cast %reduce_sum3A_61 : vector<128xf32> to vector<1x128xf32>
    %get3A_62 = arith.constant 0 : index
    %get3A_63 = arith.constant 0 : index
    %get3A_64 = arith.constant 0 : index
    %get3A_65 = vector.load %arg1[%get3A_62, %get3A_63, %get3A_64] : memref<2x1000x128xf32, #tpu.memory_space<vmem>>, vector<1x1000x128xf32>
    %get3A_66 = vector.shape_cast %get3A_65 : vector<1x1000x128xf32> to vector<1000x128xf32>
    %get3A_67 = arith.constant 1 : index
    %get3A_68 = arith.constant 0 : index
    %get3A_69 = arith.constant 0 : index
    %get3A_70 = vector.load %arg1[%get3A_67, %get3A_68, %get3A_69] : memref<2x1000x128xf32, #tpu.memory_space<vmem>>, vector<1x1000x128xf32>
    %get3A_71 = vector.shape_cast %get3A_70 : vector<1x1000x128xf32> to vector<1000x128xf32>
    %add3A_72 = arith.addf %get3A_66, %get3A_71 : vector<1000x128xf32>
    %dot_general3A = arith.constant dense<0.000000e+00> : vector<1000x128xf32>
    %dot_general3A_73 = tpu.matmul %add3A_72, %add3A_28, %dot_general3A {dimension_numbers = #tpu.dot_dimension_numbers<[1], [0], [0], [1], [0, 0, 1, 1], [], []>, transpose_lhs_hint = false} : vector<1000x128xf32>, vector<128x128xf32>, vector<1000x128xf32> -> vector<1000x128xf32>
    %get3A_74 = arith.constant 0 : index
    %get3A_75 = arith.constant 0 : index
    %get3A_76 = vector.load %arg2[%get3A_74, %get3A_75] : memref<1000x128xf32, #tpu.memory_space<vmem>>, vector<1000x128xf32>
    %dot_general3A_77 = arith.constant dense<0.000000e+00> : vector<1000x128xf32>
    %dot_general3A_78 = tpu.matmul %get3A_76, %add3A_57, %dot_general3A_77 {dimension_numbers = #tpu.dot_dimension_numbers<[1], [0], [0], [1], [0, 0, 1, 1], [], []>, transpose_lhs_hint = false} : vector<1000x128xf32>, vector<128x128xf32>, vector<1000x128xf32> -> vector<1000x128xf32>
    %add3A_79 = arith.addf %dot_general3A_73, %dot_general3A_78 : vector<1000x128xf32>
    %add3A_80 = vector.broadcast %broadcast_in_dim3A : vector<1x128xf32> to vector<1000x128xf32>
    %add3A_81 = arith.addf %add3A_79, %add3A_80 : vector<1000x128xf32>
    %get3A_82 = arith.constant 0 : index
    %get3A_83 = arith.constant 0 : index
    %get3A_84 = vector.load %arg12[%get3A_82, %get3A_83] : memref<1x128xf32, #tpu.memory_space<vmem>>, vector<1x128xf32>
    %reduce_sum3A_85 = arith.constant dense<0.000000e+00> : vector<128xf32>
    %reduce_sum3A_86 = vector.multi_reduction <add>, %add3A_81, %reduce_sum3A_85 [0] : vector<1000x128xf32> to vector<128xf32>
    %broadcast_in_dim3A_87 = vector.shape_cast %reduce_sum3A_86 : vector<128xf32> to vector<1x128xf32>
    %add3A_88 = arith.addf %get3A_84, %broadcast_in_dim3A_87 : vector<1x128xf32>
    %swap3A = arith.constant 0 : index
    %swap3A_89 = arith.constant 0 : index
    %swap3A_90 = vector.load %arg12[%swap3A, %swap3A_89] : memref<1x128xf32, #tpu.memory_space<vmem>>, vector<1x128xf32>
    tpu.vector_store %arg12[%swap3A, %swap3A_89], %add3A_88 {strides = array<i32>} : memref<1x128xf32, #tpu.memory_space<vmem>>, vector<1x128xf32>,
    %get3A_91 = arith.constant 0 : index
    %get3A_92 = arith.constant 0 : index
    %get3A_93 = vector.load %arg13[%get3A_91, %get3A_92] : memref<1x128xf32, #tpu.memory_space<vmem>>, vector<1x128xf32>
    %mul3A = arith.mulf %add3A_81, %add3A_81 : vector<1000x128xf32>
    %reduce_sum3A_94 = arith.constant dense<0.000000e+00> : vector<128xf32>
    %reduce_sum3A_95 = vector.multi_reduction <add>, %mul3A, %reduce_sum3A_94 [0] : vector<1000x128xf32> to vector<128xf32>
    %broadcast_in_dim3A_96 = vector.shape_cast %reduce_sum3A_95 : vector<128xf32> to vector<1x128xf32>
    %add3A_97 = arith.addf %get3A_93, %broadcast_in_dim3A_96 : vector<1x128xf32>
    %swap3A_98 = arith.constant 0 : index
    %swap3A_99 = arith.constant 0 : index
    %swap3A_100 = vector.load %arg13[%swap3A_98, %swap3A_99] : memref<1x128xf32, #tpu.memory_space<vmem>>, vector<1x128xf32>
    tpu.vector_store %arg13[%swap3A_98, %swap3A_99], %add3A_97 {strides = array<i32>} : memref<1x128xf32, #tpu.memory_space<vmem>>, vector<1x128xf32>,
    %get3A_101 = arith.constant 0 : index
    %get3A_102 = arith.constant 0 : index
    %get3A_103 = vector.load %arg3[%get3A_101, %get3A_102] : memref<1000x1xi32, #tpu.memory_space<vmem>>, vector<1000x1xi32>
    %get3A_104 = arith.constant 0 : index
    %get3A_105 = arith.constant 0 : index
    %get3A_106 = vector.load %arg3[%get3A_104, %get3A_105] : memref<1000x1xi32, #tpu.memory_space<vmem>>, vector<1x1xi32>
    %get3A_107 = vector.extract %get3A_106[0, 0] : i32 from vector<1x1xi32>
    %get3A_108 = arith.constant 999 : index
    %get3A_109 = arith.constant 0 : index
    %get3A_110 = vector.load %arg3[%get3A_108, %get3A_109] : memref<1000x1xi32, #tpu.memory_space<vmem>>, vector<1x1xi32>
    %get3A_111 = vector.extract %get3A_110[0, 0] : i32 from vector<1x1xi32>
    %add3A_112 = arith.constant 1 : i32
    %add3A_113 = arith.addi %get3A_111, %add3A_112 : i32
    %while3A = arith.constant 0 : i32
    %while3A_114 = arith.subi %add3A_113, %get3A_107 : i32
    %while3A_115 = arith.addi %get3A_107, %while3A_114 : i32
    %while3A_116 = arith.constant 1 : i32
    %while3A_117 = arith.divsi %while3A_114, %while3A_116 : i32
    %while3A_118 = arith.muli %while3A_117, %while3A_116 : i32
    %while3A_119 = arith.addi %get3A_107, %while3A_118 : i32
    %while3A_120 = arith.constant 1 : i32
    scf.for %while3A_127 = %get3A_107 to %while3A_119 step %while3A_120  : i32 {
      %eq3A_128 = vector.broadcast %while3A_127 : i32 to vector<1000x1xi32>
      %eq3A_129 = arith.cmpi eq, %get3A_103, %eq3A_128 : vector<1000x1xi32>
      %jit3A = arith.constant -1.000000e+30 : f32
      %broadcast_in_dim3A_130 = vector.shape_cast %eq3A_129 : vector<1000x1xi1> to vector<1000x1xi1>
      %broadcast_in_dim3A_131 = vector.broadcast %broadcast_in_dim3A_130 : vector<1000x1xi1> to vector<1000x128xi1>
      %broadcast_in_dim3A_132 = vector.broadcast %jit3A : f32 to vector<1000x128xf32>
      %select_n3A = arith.select %broadcast_in_dim3A_131, %add3A_81, %broadcast_in_dim3A_132 : vector<1000x128xi1>, vector<1000x128xf32>
      %reduce_max3A = arith.constant dense<0xFF800000> : vector<128xf32>
      %reduce_max3A_133 = vector.multi_reduction <maximumf>, %select_n3A, %reduce_max3A [0] : vector<1000x128xf32> to vector<128xf32>
      %broadcast_in_dim3A_134 = vector.shape_cast %reduce_max3A_133 : vector<128xf32> to vector<1x128xf32>
      %get3A_135 = arith.index_cast %while3A_127 : i32 to index
      %get3A_136 = arith.constant 0 : index
      %get3A_137 = vector.load %arg14[%get3A_135, %get3A_136] : memref<64x128xf32, #tpu.memory_space<vmem>>, vector<1x128xf32>
      %max3A = arith.maximumf %get3A_137, %broadcast_in_dim3A_134 : vector<1x128xf32>
      %swap3A_138 = arith.index_cast %while3A_127 : i32 to index
      %swap3A_139 = arith.constant 0 : index
      %swap3A_140 = vector.load %arg14[%swap3A_138, %swap3A_139] : memref<64x128xf32, #tpu.memory_space<vmem>>, vector<1x128xf32>
      tpu.vector_store %arg14[%swap3A_138, %swap3A_139], %max3A {strides = array<i32>} : memref<64x128xf32, #tpu.memory_space<vmem>>, vector<1x128xf32>,
    }
    %while3A_121 = arith.constant 1 : i32
    scf.for %while3A_127 = %while3A_119 to %while3A_115 step %while3A_121  : i32 {
      %eq3A_128 = vector.broadcast %while3A_127 : i32 to vector<1000x1xi32>
      %eq3A_129 = arith.cmpi eq, %get3A_103, %eq3A_128 : vector<1000x1xi32>
      %jit3A = arith.constant -1.000000e+30 : f32
      %broadcast_in_dim3A_130 = vector.shape_cast %eq3A_129 : vector<1000x1xi1> to vector<1000x1xi1>
      %broadcast_in_dim3A_131 = vector.broadcast %broadcast_in_dim3A_130 : vector<1000x1xi1> to vector<1000x128xi1>
      %broadcast_in_dim3A_132 = vector.broadcast %jit3A : f32 to vector<1000x128xf32>
      %select_n3A = arith.select %broadcast_in_dim3A_131, %add3A_81, %broadcast_in_dim3A_132 : vector<1000x128xi1>, vector<1000x128xf32>
      %reduce_max3A = arith.constant dense<0xFF800000> : vector<128xf32>
      %reduce_max3A_133 = vector.multi_reduction <maximumf>, %select_n3A, %reduce_max3A [0] : vector<1000x128xf32> to vector<128xf32>
      %broadcast_in_dim3A_134 = vector.shape_cast %reduce_max3A_133 : vector<128xf32> to vector<1x128xf32>
      %get3A_135 = arith.index_cast %while3A_127 : i32 to index
      %get3A_136 = arith.constant 0 : index
      %get3A_137 = vector.load %arg14[%get3A_135, %get3A_136] : memref<64x128xf32, #tpu.memory_space<vmem>>, vector<1x128xf32>
      %max3A = arith.maximumf %get3A_137, %broadcast_in_dim3A_134 : vector<1x128xf32>
      %swap3A_138 = arith.index_cast %while3A_127 : i32 to index
      %swap3A_139 = arith.constant 0 : index
      %swap3A_140 = vector.load %arg14[%swap3A_138, %swap3A_139] : memref<64x128xf32, #tpu.memory_space<vmem>>, vector<1x128xf32>
      tpu.vector_store %arg14[%swap3A_138, %swap3A_139], %max3A {strides = array<i32>} : memref<64x128xf32, #tpu.memory_space<vmem>>, vector<1x128xf32>,
    }
    %eq3A_122 = arith.constant 9 : i32
    %eq3A_123 = arith.cmpi eq, %arg0, %eq3A_122 : i32
    %convert_element_type3A_124 = arith.extui %eq3A_123 : i1 to i32
    %cond3A_125 = arith.constant 0 : i32
    %cond3A_126 = arith.cmpi ne, %convert_element_type3A_124, %cond3A_125 : i32
    scf.if %cond3A_126 {
      %get3A_127 = arith.constant 0 : index
      %get3A_128 = arith.constant 0 : index
      %get3A_129 = vector.load %arg12[%get3A_127, %get3A_128] : memref<1x128xf32, #tpu.memory_space<vmem>>, vector<1x128xf32>
      %div3A = arith.constant 1.000000e+04 : f32
      %div3A_130 = vector.broadcast %div3A : f32 to vector<1x128xf32>
      %div3A_131 = arith.divf %get3A_129, %div3A_130 : vector<1x128xf32>
      %get3A_132 = arith.constant 0 : index
      %get3A_133 = arith.constant 0 : index
      %get3A_134 = vector.load %arg13[%get3A_132, %get3A_133] : memref<1x128xf32, #tpu.memory_space<vmem>>, vector<1x128xf32>
      %div3A_135 = arith.constant 1.000000e+04 : f32
      %div3A_136 = vector.broadcast %div3A_135 : f32 to vector<1x128xf32>
      %div3A_137 = arith.divf %get3A_134, %div3A_136 : vector<1x128xf32>
      %mul3A_138 = arith.mulf %div3A_131, %div3A_131 : vector<1x128xf32>
      %sub3A = arith.subf %div3A_137, %mul3A_138 : vector<1x128xf32>
      %get3A_139 = arith.constant 0 : index
      %get3A_140 = arith.constant 0 : index
      %get3A_141 = vector.load %arg7[%get3A_139, %get3A_140] : memref<1x128xf32, #tpu.memory_space<vmem>>, vector<1x128xf32>
      %add3A_142 = arith.constant 9.99999974E-6 : f32
      %add3A_143 = vector.broadcast %add3A_142 : f32 to vector<1x128xf32>
      %add3A_144 = arith.addf %sub3A, %add3A_143 : vector<1x128xf32>
      %rsqrt3A = math.rsqrt %add3A_144 : vector<1x128xf32>
      %mul3A_145 = arith.mulf %get3A_141, %rsqrt3A : vector<1x128xf32>
      %get3A_146 = arith.constant 0 : index
      %get3A_147 = arith.constant 0 : index
      %get3A_148 = vector.load %arg8[%get3A_146, %get3A_147] : memref<1x128xf32, #tpu.memory_space<vmem>>, vector<1x128xf32>
      %mul3A_149 = arith.mulf %div3A_131, %mul3A_145 : vector<1x128xf32>
      %sub3A_150 = arith.subf %get3A_148, %mul3A_149 : vector<1x128xf32>
      %get3A_151 = arith.constant 0 : index
      %get3A_152 = arith.constant 0 : index
      %get3A_153 = vector.load %arg14[%get3A_151, %get3A_152] : memref<64x128xf32, #tpu.memory_space<vmem>>, vector<64x128xf32>
      %mul3A_154 = vector.broadcast %mul3A_145 : vector<1x128xf32> to vector<64x128xf32>
      %mul3A_155 = arith.mulf %get3A_153, %mul3A_154 : vector<64x128xf32>
      %add3A_156 = vector.broadcast %sub3A_150 : vector<1x128xf32> to vector<64x128xf32>
      %add3A_157 = arith.addf %mul3A_155, %add3A_156 : vector<64x128xf32>
      %max3A = arith.constant 0.000000e+00 : f32
      %max3A_158 = vector.broadcast %max3A : f32 to vector<64x128xf32>
      %max3A_159 = arith.maximumf %add3A_157, %max3A_158 : vector<64x128xf32>
      %get3A_160 = arith.constant 0 : index
      %get3A_161 = arith.constant 0 : index
      %get3A_162 = vector.load %arg9[%get3A_160, %get3A_161] : memref<128x96xf32, #tpu.memory_space<vmem>>, vector<128x96xf32>
      %dot_general3A_163 = arith.constant dense<0.000000e+00> : vector<64x96xf32>
      %dot_general3A_164 = tpu.matmul %max3A_159, %get3A_162, %dot_general3A_163 {dimension_numbers = #tpu.dot_dimension_numbers<[1], [0], [0], [1], [0, 0, 1, 1], [], []>, transpose_lhs_hint = false} : vector<64x128xf32>, vector<128x96xf32>, vector<64x96xf32> -> vector<64x96xf32>
      %get3A_165 = arith.constant 0 : index
      %get3A_166 = arith.constant 0 : index
      %get3A_167 = vector.load %arg10[%get3A_165, %get3A_166] : memref<1x96xf32, #tpu.memory_space<vmem>>, vector<1x96xf32>
      %add3A_168 = vector.broadcast %get3A_167 : vector<1x96xf32> to vector<64x96xf32>
      %add3A_169 = arith.addf %dot_general3A_164, %add3A_168 : vector<64x96xf32>
      %swap3A_170 = arith.constant 0 : index
      %swap3A_171 = arith.constant 0 : index
      %swap3A_172 = vector.load %arg11[%swap3A_170, %swap3A_171] : memref<64x96xf32, #tpu.memory_space<vmem>>, vector<64x96xf32>
      tpu.vector_store %arg11[%swap3A_170, %swap3A_171], %add3A_169 {strides = array<i32>} : memref<64x96xf32, #tpu.memory_space<vmem>>, vector<64x96xf32>,
    } else {
    }
    return
  }
  func.func @transform_0(%arg0: i32) -> (i32, i32, i32) {
    %c0_i32 = arith.constant 0 : i32
    %c0_i32_0 = arith.constant 0 : i32
    %c0_i32_1 = arith.constant 0 : i32
    return %c0_i32, %arg0, %c0_i32_0 : i32, i32, i32
  }
  func.func @transform_1(%arg0: i32) -> (i32, i32) {
    %c0_i32 = arith.constant 0 : i32
    %c0_i32_0 = arith.constant 0 : i32
    return %arg0, %c0_i32 : i32, i32
  }
  func.func @transform_2(%arg0: i32) -> (i32, i32) {
    %c0_i32 = arith.constant 0 : i32
    %c0_i32_0 = arith.constant 0 : i32
    return %arg0, %c0_i32 : i32, i32
  }
  func.func @transform_3(%arg0: i32) -> (i32, i32, i32) {
    %c0_i32 = arith.constant 0 : i32
    %c0_i32_0 = arith.constant 0 : i32
    %c0_i32_1 = arith.constant 0 : i32
    %c0_i32_2 = arith.constant 0 : i32
    return %c0_i32, %c0_i32_0, %c0_i32_1 : i32, i32, i32
  }
  func.func @transform_4(%arg0: i32) -> (i32, i32, i32) {
    %c0_i32 = arith.constant 0 : i32
    %c0_i32_0 = arith.constant 0 : i32
    %c0_i32_1 = arith.constant 0 : i32
    %c0_i32_2 = arith.constant 0 : i32
    return %c0_i32, %c0_i32_0, %c0_i32_1 : i32, i32, i32
  }
  func.func @transform_5(%arg0: i32) -> (i32, i32) {
    %c0_i32 = arith.constant 0 : i32
    %c0_i32_0 = arith.constant 0 : i32
    %c0_i32_1 = arith.constant 0 : i32
    return %c0_i32, %c0_i32_0 : i32, i32
  }
  func.func @transform_6(%arg0: i32) -> (i32, i32) {
    %c0_i32 = arith.constant 0 : i32
    %c0_i32_0 = arith.constant 0 : i32
    %c0_i32_1 = arith.constant 0 : i32
    return %c0_i32, %c0_i32_0 : i32, i32
  }
  func.func @transform_7(%arg0: i32) -> (i32, i32) {
    %c0_i32 = arith.constant 0 : i32
    %c0_i32_0 = arith.constant 0 : i32
    %c0_i32_1 = arith.constant 0 : i32
    return %c0_i32, %c0_i32_0 : i32, i32
  }
  func.func @transform_8(%arg0: i32) -> (i32, i32) {
    %c0_i32 = arith.constant 0 : i32
    %c0_i32_0 = arith.constant 0 : i32
    %c0_i32_1 = arith.constant 0 : i32
    return %c0_i32, %c0_i32_0 : i32, i32
  }
  func.func @transform_9(%arg0: i32) -> (i32, i32) {
    %c0_i32 = arith.constant 0 : i32
    %c0_i32_0 = arith.constant 0 : i32
    %c0_i32_1 = arith.constant 0 : i32
    return %c0_i32, %c0_i32_0 : i32, i32
  }
  func.func @transform_10(%arg0: i32) -> (i32, i32) {
    %c0_i32 = arith.constant 0 : i32
    %c0_i32_0 = arith.constant 0 : i32
    %c0_i32_1 = arith.constant 0 : i32
    return %c0_i32, %c0_i32_0 : i32, i32
  }
}

</mosaic_0001>

<sc_bundles>
// kernel: kernel.4.cloned.1.call-start
scs
__scs_entry_jumppad:
0x0: {  	(pc) =	sbr.rel $0x88, $3  }
0x1: {  	(tag) =	ssettag $0x0;
	lr =	simm.s32 $0x1  }
0x2: {  	[smem:$0x3F97] =	sst lr;
	_ =	strace $0xD0000000  }
0x3: {  	_ = 	snop  }
0x4: {  	_ = 	snop  }
0x5: {  	_ = 	snop  }
0x6: {  	_ = 	snop  }
0x7: {  	_ = 	snop  }
__scs_overlays_trampoline_lowered:
0x8: {  	[smem:$0x3FA6] =	sst s0  }
0x9: {  	[smem:$0x3FA7] =	sst s1  }
0xa: {  	[smem:$0x3FA8] =	sst s2  }
0xb: {  	[smem:$0x3FA9] =	sst s3  }
0xc: {  	[smem:$0x3FAA] =	sst s4  }
0xd: {  	[smem:$0x3FAB] =	sst s5  }
0xe: {  	[smem:$0x3FAC] =	sst s6  }
0xf: {  	[smem:$0x3FAD] =	sst s7  }
0x10: {  	[smem:$0x3FAE] =	sst s8  }
0x11: {  	[smem:$0x3FAF] =	sst s9;
	s0 =	simm.s32 @!p0 $0x0  }
0x12: {  	s1 =	sld [smem:$0x3F95];
	s0 =	simm.s32 @p0 $0x1  }
0x13: {  	[smem:$0x3FB0] =	sst s0;
	s0 =	simm.s32 @!p1 $0x0  }
0x14: {  	s2 =	sld [smem:$0x3F94];
	s0 =	simm.s32 @p1 $0x1  }
0x15: {  	[smem:$0x3FB1] =	sst s0;
	s0 =	simm.s32 @!p2 $0x0  }
0x16: {  	s3 =	sld [smem:$0x3FDB];
	s0 =	simm.s32 @p2 $0x1  }
0x17: {  	s4 =	simm.s32 $0x1BF5;
	[smem:$0x3FB3] =	sst s0  }
0x18: {  	s0 =	sld [smem:$0x3F96];
	_ =	swait.ge [sflag:s4], $0x0  }
0x19: {  	s7 =	sld [smem:$0x3F97]  }
0x1a: {  	s8 =	sadd.s32 $0xFFFFE003, lr  }
0x1b: {  	s9 =	sadd.s32 $0xFFFFFEF7, lr;
	s5 =	simm.s32 $0xFFFFFFFF;
	p2 =	slt.u32 s8, $0xFFFFF086  }
0x1c: {  	p1 =	slt.u32 s9, $0xF7A;
	s5 =	simm.s32 @!p2 $0x0  }
0x1d: {  	s5 =	simm.s32 @p1 $0x1;
	p0 =	seq.s32 s7, s2  }
0x1e: {  	s7 =	smul.u32 @!p0 $0xF7A, s2;
	p2 =	seq.s32 @!p0 s5, $0x0  }
0x1f: {  	s9 =	smul.u32 $0xF7A, s1;
	s8 =	simm.s32 @!p0 $0x1BF5;
	p2 =	por !p2, p0  }
0x20: {  	[sflag:s8] =	ssyncset.s32 @!p0 $0xFFFFF086;
	s6 =	sadd.s32 @!p0 s3, s7;
	s7 =	simm.s32 @!p0 $0x108  }
0x21: {  	s3 =	sadd.s32 s3, s9;
	s6 =	sadd.s32 @!p0 $0x88, s6;
	s7 =	simm.s32 @p2 $0x1082  }
0x22: {  	[simem:s7], [sflag:s8] =	dma.local @!p0 [hbm:s6], $0xF7A  }
0x23: {  	s9 =	sor.u32 $0xD0000000, s2;
	s6 =	simm.s32 $0x108;
	_ =	swait.ge @!p0 [sflag:s8], $0x0  }
0x24: {  	s3 =	sadd.s32 $0x88, s3;
	s6 =	simm.s32 @!p1 $0x1082;
	[sflag:s4] =	ssyncset.s32 $0xFFFFF086  }
0x25: {  	[simem:s6], [sflag:s4] =	dma.local [hbm:s3], $0xF7A  }
0x26: {  	[smem:$0x3F97] =	sst s1;
	(tag) =	ssettag s2;
	_ =	strace s9  }
0x27: {  	s1 =	sld [smem:$0x3FA7]  }
0x28: {  	s2 =	sld [smem:$0x3FA8]  }
0x29: {  	s4 =	sld [smem:$0x3FAA]  }
0x2a: {  	p0 =	seq.s32 s5, $0x0;
	s5 =	sld [smem:$0x3FAB]  }
0x2b: {  	s6 =	sld [smem:$0x3FAC]  }
0x2c: {  	s7 =	sld [smem:$0x3FAD]  }
0x2d: {  	s3 =	simm.s32 $0x108;
	s8 =	sld [smem:$0x3FAE]  }
0x2e: {  	s3 =	simm.s32 @!p0 $0x1082;
	s9 =	sld [smem:$0x3FAF]  }
0x2f: {  	lr =	sadd.s32 s0, s3;
	s0 =	sld [smem:$0x3FA6]  }
0x30: {  	s3 =	sld [smem:$0x3FA9]  }
0x31: {  	[smem:$0x3FB2] =	sst s10  }
0x32: {  	s10 =	sld [smem:$0x3FB0];
	_ =	sdelay $0x3  }
0x33: {  	p0 =	seq.s32 s10, $0x1;
	s10 =	sld [smem:$0x3FB2];
	_ =	sdelay $0x3  }
0x34: {  	[smem:$0x3FB2] =	sst s10  }
0x35: {  	s10 =	sld [smem:$0x3FB1];
	_ =	sdelay $0x3  }
0x36: {  	p1 =	seq.s32 s10, $0x1;
	s10 =	sld [smem:$0x3FB2];
	_ =	sdelay $0x3  }
0x37: {  	[smem:$0x3FB2] =	sst s10  }
0x38: {  	s10 =	sld [smem:$0x3FB3]  }
0x39: {  	_ = 	snop;
	(pc) =	sbr.ind lr, $3  }
0x3a: {  	_ = 	snop  }
0x3b: {  	_ = 	snop  }
0x3c: {  	p2 =	seq.s32 s10, $0x1;
	s10 =	sld [smem:$0x3FB2]  }
0x3d: {  	_ =	shalt  }
0x3e: {  	_ =	shalt  }
0x3f: {  	_ =	shalt  }
0x40: {  	_ =	shalt  }
0x41: {  	_ =	shalt  }
0x42: {  	_ =	shalt  }
0x43: {  	_ =	shalt  }
0x44: {  	_ =	shalt  }
0x45: {  	_ =	shalt  }
0x46: {  	_ =	shalt  }
0x47: {  	_ =	shalt  }
0x48: {  	_ =	shalt  }
0x49: {  	_ =	shalt  }
0x4a: {  	_ =	shalt  }
0x4b: {  	_ =	shalt  }
0x4c: {  	_ =	shalt  }
0x4d: {  	_ =	shalt  }
0x4e: {  	_ =	shalt  }
0x4f: {  	_ =	shalt  }
0x50: {  	_ =	shalt  }
0x51: {  	_ =	shalt  }
0x52: {  	_ =	shalt  }
0x53: {  	_ =	shalt  }
0x54: {  	_ =	shalt  }
0x55: {  	_ =	shalt  }
0x56: {  	_ =	shalt  }
0x57: {  	_ =	shalt  }
0x58: {  	_ =	shalt  }
0x59: {  	_ =	shalt  }
0x5a: {  	_ =	shalt  }
0x5b: {  	_ =	shalt  }
0x5c: {  	_ =	shalt  }
0x5d: {  	_ =	shalt  }
0x5e: {  	_ =	shalt  }
0x5f: {  	_ =	shalt  }
0x60: {  	_ =	shalt  }
0x61: {  	_ =	shalt  }
0x62: {  	_ =	shalt  }
0x63: {  	_ =	shalt  }
0x64: {  	_ =	shalt  }
0x65: {  	_ =	shalt  }
0x66: {  	_ =	shalt  }
0x67: {  	_ =	shalt  }
0x68: {  	_ =	shalt  }
0x69: {  	_ =	shalt  }
0x6a: {  	_ =	shalt  }
0x6b: {  	_ =	shalt  }
0x6c: {  	_ =	shalt  }
0x6d: {  	_ =	shalt  }
0x6e: {  	_ =	shalt  }
0x6f: {  	_ =	shalt  }
0x70: {  	_ =	shalt  }
0x71: {  	_ =	shalt  }
0x72: {  	_ =	shalt  }
0x73: {  	_ =	shalt  }
0x74: {  	_ =	shalt  }
0x75: {  	_ =	shalt  }
0x76: {  	_ =	shalt  }
0x77: {  	_ =	shalt  }
0x78: {  	_ =	shalt  }
0x79: {  	_ =	shalt  }
0x7a: {  	_ =	shalt  }
0x7b: {  	_ =	shalt  }
0x7c: {  	_ =	shalt  }
0x7d: {  	_ =	shalt  }
0x7e: {  	_ =	shalt  }
0x7f: {  	_ =	shalt  }
0x80: {  	_ =	shalt  }
0x81: {  	_ =	shalt  }
0x82: {  	_ =	shalt  }
0x83: {  	_ =	shalt  }
0x84: {  	_ =	shalt  }
0x85: {  	_ =	shalt  }
0x86: {  	_ =	shalt  }
0x87: {  	_ =	shalt  }
.Lfunc_end0:
.L_simem_size_0:
called_computation_lowered:
.L_overlay_start_0:
0x88: {  	s2 =	sld [smem:$0x3FD9]  }
0x89: {  	s3 =	sld [smem:$0x3FFE];
	_ =	sdelay $0x1  }
0x8a: {  	s1 =	srdreg.scid  }
0x8b: {  	s0 =	sand.u32 $0x1, s1  }
0x8c: {  	s17 =	sshll.u32 s0, $0xA;
	s2 =	sadd.s32 s3, s2  }
0x8d: {  	s2 =	sadd.s32 s2, s17  }
0x8e: {  	[smem:$0x3FBE] =	sst s2  }
0x8f: {  	_ = 	snop  }
0x90: {  	s2 =	sld [smem:$0x3FC9];
	(tm) =	ssettm $0x1  }
0x91: {  	s18 =	sld [smem:$0x3FFB];
	_ =	sdelay $0x3  }
0x92: {  	_ =	strace s18  }
0x93: {  	s3 =	sld [smem:$0x3FFC];
	_ =	sdelay $0x3  }
0x94: {  	_ =	strace s3  }
0x95: {  	s3 =	sld [smem:$0x3FFD];
	_ =	sdelay $0x3  }
0x96: {  	_ =	strace s3  }
0x97: {  	_ =	strace $0x8FFFFFFF  }
0x98: {  	s19 =	sld [smem:$0x3FDB];
	_ =	sdelay $0x1  }
0x99: {  	s4 =	simm.s32 $_scs_section_size  }
0x9a: {  	s5 =	simm.s32 $_size__tile_overlayer_lowered;
	s6 =	simm.s32 $_tile_overlayer_lowered  }
0x9b: {  	s22 =	simm.s32 $0x1BFF;
	s21 =	sshll.u32 s6, $0x1;
	s3 =	sadd.s32 s4, s19  }
0x9c: {  	s7 =	simm.s32 $0x0;
	s20 =	sshll.u32 s5, $0x1;
	s5 =	sadd.s32 s21, s3  }
0x9d: {  	[timem:s7], [sflag:s22] =	dma.local [hbm:s5], s20  }
0x9e: {  	_ =	swait.ge [sflag:s22], s20  }
0x9f: {  	s4 =	ssub.s32 $0x0, s20;
	[sflag:s22] =	ssyncset.done $0x0  }
0xa0: {  	[sflag:s22] =	ssyncadd.s32 s4;
	_ =	sdelay $0x1  }
0xa1: {  	s23 =	simm.s32 $0x1B8B  }
0xa2: {  	_ =	swait.ge [sflag:s23], $0x1  }
0xa3: {  	[sflag:s23] =	ssyncset.done $0x0  }
0xa4: {  	s25 =	simm.s32 $0x1B8E;
	s24 =	sld [smem:$0x3FFE];
	[sflag:s23] =	ssyncadd.s32 $0xFFFFFFFF  }
0xa5: {  	s26 =	simm.s32 $execute0_lowered;
	[smem:$0x3FD2] =	sst s25  }
0xa6: {  	s5 =	sshll.u32 s26, $0x1;
	_ =	strace $0x80000046;
	[dreg:$0x1] =	wrdreg $0xFFFFFFFF  }
0xa7: {  	s28 =	simm.s32 $_size_execute0_lowered;
	s3 =	sadd.s32 s3, s5;
	[dreg:$0x0] =	wrdreg $0x0  }
0xa8: {  	s5 =	sshll.u32 s28, $0x1;
	[dreg:$0x2] =	wrdreg s3  }
0xa9: {  	[dreg:$0x3] =	wrdreg s5  }
0xaa: {  	[dreg:$0x4] =	wrdreg $0xC0  }
0xab: {  	_ =	task [dreg:s7], $0x5FFFF  }
0xac: {  	[dreg:$0x1] =	wrdreg $0xFFFFFFFF  }
0xad: {  	[dreg:$0x0] =	wrdreg $0x60  }
0xae: {  	[dreg:$0x2] =	wrdreg s2  }
0xaf: {  	[dreg:$0x3] =	wrdreg s24  }
0xb0: {  	[dreg:$0x4] =	wrdreg $0xAA000  }
0xb1: {  	[dreg:$0x5] =	wrdreg $0x9  }
0xb2: {  	_ =	task.clear_ibuf [dreg:s7], $0x6FFFF;
	_ =	strace $0x90000046  }
0xb3: {  	s29 =	simm.s32 $0x9;
	_ =	strace $0x80000048  }
0xb4: {  	_ =	swait.ge [sflag:s29], $0x1  }
0xb5: {  	[sflag:s29] =	ssyncadd.s32 $0xFFFFFFFF  }
0xb6: {  	_ =	strace $0x90000048  }
0xb7: {  	_ =	sfence  }
0xb8: {  	s30 =	sld [smem:$0x0];
	_ =	sdelay $0x2  }
0xb9: {  	s31 =	sshll.u32 s1, $0xD;
	s1 =	sshrl.u32 s1, $0x2  }
0xba: {  	s3 =	sand.u32 $0x4000, s31;
	s1 =	sadd.s32 s1, s30  }
0xbb: {  	s0 =	sor.u32 s3, s0;
	s1 =	sshll.u32 s1, $0x11  }
0xbc: {  	s0 =	sor.u32 s1, s0  }
0xbd: {  	s0 =	sadd.s32 $0x8F2B, s0  }
0xbe: {  	[sflag:s0] =	ssyncadd.remote.s32 $0x1  }
0xbf: {  	_ =	sfence.sel $0xFFFF  }
0xc0: {  	[dreg:$0x0] =	wrdreg $0xFFFFFFFF;
	(pc) =	sbr.abs _section_cstart, $3  }
0xc1: {  	[dreg:$0x1] =	wrdreg $0xFFFFFFFF  }
0xc2: {  	_ =	task.clear_ibuf [dreg:s7], $0x2FFFF;
	_ =	strace $0x9FFFFFFF  }
0xc3: {  	(tm) =	ssettm $0x7FFFFFFF  }
tec
execute0_lowered:
.L_overlay_start_1:
0x0: {  	(tag) =	ssettag $0x1  }
0x1: {  	s0 =	srdreg.scid  }
0x2: {  	s2 =	rddreg [dreg:$0x0];
	s6 =	sand.u32 $0x1, s0  }
0x3: {  	s0 =	stileid.u32;
	s8 =	smul.u32 $0x138800, s6  }
0x4: {  	s7 =	rddreg [dreg:$0x1];
	s4 =	simm.s32 $0x0;
	s9 =	smul.u32 $0x14000, s0  }
0x5: {  	[smem:$0x7FF] =	sst s4;
	s30 =	smul.u32 $0x50000, s0  }
0x6: {  	s1 =	sshll.u32 s6, $0x4;
	s12 =	ssub.s32 $0x2, s6;
	s6 =	smul.u32 $0x28000, s6  }
0x7: {  	s3 =	rddreg [dreg:$0x2];
	_ =	strace $0x80000047;
	s16 =	smul.u32 $0x2800, s0  }
0x8: {  	p1 =	seq.s32 s0, $0xF;
	s1 =	sor.u32 s0, s1;
	s13 =	sshrl.u32 s12, $0x1  }
0x9: {  	s5 =	smul.u32 $0x2800, s1;
	s26 =	sadd.s32 s9, s8;
	s8 =	sadd.s32 $0x1600, s7  }
0xa: {  	p0 =	seq.s32 s1, $0x1F;
	s12 =	ssub.s32 s12, s13;
	s14 =	sshrl.u32 s30, $0x2  }
0xb: {  	s6 =	sadd.s32 s16, s6;
	s9 =	sshrl.u32 s26, $0x3;
	s14 =	sadd.s32 s14, s3  }
0xc: {  	s17 =	smax.u32 s12, $0x1;
	s23 =	sor.u32 $0x100, s6;
	s25 =	sor.u32 $0x140, s6  }
0xd: {  	s26 =	sor.u32 $0x180, s6;
	s6 =	sor.u32 $0x1C0, s6;
	[dreg:$0x10] =	wrdreg s17  }
0xe: {  	s10 =	sshrl.u32 s5, $0x3;
	s18 =	sadd.s32 $0x1400, s14;
	[dreg:$0xf] =	wrdreg s14  }
0xf: {  	s5 =	simm.s32 $0x28;
	s19 =	sadd.s32 $0x2800, s14;
	[dreg:$0x11] =	wrdreg s18  }
0x10: {  	s1 =	sadd.s32 s9, s7;
	s20 =	sadd.s32 $0x3C00, s14;
	[dreg:$0x12] =	wrdreg s19  }
0x11: {  	s11 =	sadd.s32 s10, s7;
	s7 =	sadd.s32 $0x14F00, s7;
	[dreg:$0x13] =	wrdreg s20  }
0x12: {  	s6 =	sshrl.u32 s6, $0x3;
	s29 =	sadd.s32 s8, s10;
	[dreg:$0xb] =	wrdreg s7  }
0x13: {  	s9 =	sshll.u32 s0, $0x4;
	s6 =	sadd.s32 s6, s8;
	[dreg:$0xa] =	wrdreg s29  }
0x14: {  	s24 =	sshrl.u32 s23, $0x3;
	s20 =	sadd.s32 $0x6400, s14;
	[dreg:$0x8] =	wrdreg s6  }
0x15: {  	s12 =	sshrl.u32 s25, $0x3;
	s1 =	sadd.s32 $0x15200, s1;
	[dreg:$0x15] =	wrdreg s20  }
0x16: {  	s5 =	simm.s32 @!p0 $0xA0;
	s28 =	sadd.s32 $0xB400, s11;
	[dreg:$0x1b] =	wrdreg s1  }
0x17: {  	s10 =	sor.u32 $0xB, s9;
	s31 =	sadd.s32 $0x8, s29;
	[dreg:$0x9] =	wrdreg s28  }
0x18: {  	s13 =	sadd.s32 $0x10, s29;
	s15 =	sadd.s32 $0x18, s29;
	[dreg:$0xc] =	wrdreg s31  }
0x19: {  	s21 =	smul.u32 $0x5000, s10;
	s22 =	sshll.u32 s5, $0x3;
	[dreg:$0xd] =	wrdreg s13  }
0x1a: {  	s11 =	sadd.s32 s24, s8;
	s29 =	sshrl.u32 s26, $0x3;
	[dreg:$0xe] =	wrdreg s15  }
0x1b: {  	p2 =	sgt.u32 @!p1 s10, $0xF9;
	s10 =	sor.u32 $0xE, s9;
	[dreg:$0x4] =	wrdreg s22  }
0x1c: {  	s26 =	sadd.s32 $0x7800, s14;
	s20 =	simm.s32 $0x6;
	[dreg:$0x5] =	wrdreg s11  }
0x1d: {  	s28 =	sadd.s32 s12, s8;
	s13 =	sor.u32 $0xC, s9;
	s30 =	sadd.s32 s29, s8  }
0x1e: {  	s15 =	sadd.s32 $0x5000, s14;
	s8 =	sor.u32 $0xD, s9;
	s18 =	smul.u32 $0x5000, s10  }
0x1f: {  	p5 =	sgt.u32 @!p1 s10, $0xF9;
	p2 =	por p2, p1;
	[dreg:$0x1c] =	wrdreg s26  }
0x20: {  	s29 =	sadd.s32 $0xA000, s14;
	s10 =	simm.s32 $0x2000;
	[dreg:$0x6] =	wrdreg s28  }
0x21: {  	s11 =	simm.s32 $0xA880;
	s12 =	simm.s32 $0x4000;
	[dreg:$0x7] =	wrdreg s30  }
0x22: {  	s26 =	simm.s32 $0x0;
	s31 =	smul.u32 $0x5000, s13;
	[dreg:$0x14] =	wrdreg s15  }
0x23: {  	s7 =	sshrl.u32 s21, $0x2;
	s17 =	smul.u32 $0x5000, s8;
	p3 =	sgt.u32 @!p1 s13, $0xF9  }
0x24: {  	p4 =	sgt.u32 @!p1 s8, $0xF9;
	s8 =	sshllo.u32 s0, $0x4;
	s1 =	simm.s32 @!p2 $0x0  }
0x25: {  	p5 =	por p5, p1;
	s28 =	sadd.s32 $0x8C00, s14;
	[dreg:$0x1e] =	wrdreg s29  }
0x26: {  	s30 =	sadd.s32 $0xB400, s14;
	s19 =	smul.u32 $0x5000, s8;
	p6 =	sgt.u32 @!p1 s8, $0xF9  }
0x27: {  	s7 =	sadd.s32 s7, s3;
	s22 =	sshrl.u32 s18, $0x2;
	s1 =	simm.s32 @p2 $0x1  }
0x28: {  	p2 =	por p3, p1;
	p4 =	por p4, p1;
	[dreg:$0x1d] =	wrdreg s28  }
0x29: {  	[dreg:$0x1f] =	wrdreg s30;
	s8 =	simm.s32 $0xA800;
	s18 =	simm.s32 $0x1  }
0x2a: {  	s16 =	sshrl.u32 s31, $0x2;
	[dreg:$0x16] =	wrdreg s7;
	s6 =	sshrl.u32 s17, $0x2  }
0x2b: {  	s24 =	sadd.s32 s22, s3;
	[smem:$0x7FB] =	sst s1;
	s1 =	simm.s32 @!p2 $0x0  }
0x2c: {  	p6 =	por p6, p1;
	s31 =	sadd.s32 $0xC800, s14;
	s14 =	simm.s32 $0xA900  }
0x2d: {  	s17 =	simm.s32 $0xA980;
	s7 =	simm.s32 $0x9;
	s22 =	simm.s32 $0x7  }
0x2e: {  	s21 =	sadd.s32 s16, s3;
	s23 =	sshrl.u32 s19, $0x2;
	[dreg:$0x19] =	wrdreg s24  }
0x2f: {  	s6 =	sadd.s32 s6, s3;
	s1 =	simm.s32 @p2 $0x1;
	[smem:$0x7FD] =	sst s31  }
0x30: {  	s16 =	simm.s32 $0x6000;
	s19 =	simm.s32 $0x2;
	[dreg:$0x17] =	wrdreg s21  }
0x31: {  	s24 =	simm.s32 $0x8;
	[dreg:$0x18] =	wrdreg s6;
	s25 =	sadd.s32 s23, s3  }
0x32: {  	[smem:$0x7FC] =	sst s1;
	s1 =	simm.s32 $0x5;
	s6 =	simm.s32 $0x40  }
0x33: {  	v0 =	vimm.f32 $0.0e+00;
	s21 =	simm.s32 $0x3;
	s23 =	simm.s32 $0x4;
	[dreg:$0x1a] =	wrdreg s25  }
.LBB2_1:
0x34: {  	s13 =	simm.s32 @p0 $0x0;
	s15 =	simm.s32 @p0 $0x8000  }
0x35: {  	s25 =	rddreg [dreg:$0xb];
	s28 =	simm.s32 $0x0;
	s29 =	simm.s32 $0x200  }
0x36: {  	[tilespmem:s15], [sflag:$0x1] =	stream.linear.gather @p0 [hbm4b:s25+s13], $0xA00, $0x38;
	[tilespmem:$0x1E280] =	vst v63  }
0x37: {  	s13 =	simm.s32 @!p0 $0x0;
	s15 =	simm.s32 @!p0 $0x8000;
	s25 =	rddreg [dreg:$0x9]  }
0x38: {  	[tilespmem:s15], [sflag:$0x1] =	stream.linear.gather @!p0 [hbm4b:s25+s13], $0x2800, $0x38;
	[tilespmem:$0x1E280] =	vst v63  }
.LBB2_2:
0x39: {  	p2 =	sne.s32 s29, $0x7E00;
	[tilespmem:s28+$0x70] =	vst v0  }
0x3a: {  	[tilespmem:s28+$0x0] =	vst v0  }
0x3b: {  	[tilespmem:s28+$0x10] =	vst v0  }
.Ltmp0:
0x3c: {  	[tilespmem:s28+$0x20] =	vst v0;
	(pc) =	sbr.rel @p2 .LBB2_2-.Ltmp0, $4  }
0x3d: {  	[tilespmem:s28+$0x30] =	vst v0  }
0x3e: {  	[tilespmem:s28+$0x40] =	vst v0  }
0x3f: {  	[tilespmem:s28+$0x50] =	vst v0  }
0x40: {  	[tilespmem:s28+$0x60] =	vst v0;
	s28 =	sshra.s32 s29, $0x2;
	s29 =	sadd.s32 $0x200, s29  }
0x41: {  	[tilespmem:s28+$0x70] =	vst v0  }
0x42: {  	[tilespmem:s28+$0x0] =	vst v0  }
0x43: {  	[tilespmem:s28+$0x10] =	vst v0  }
0x44: {  	[tilespmem:s28+$0x20] =	vst v0  }
0x45: {  	[tilespmem:s28+$0x30] =	vst v0  }
0x46: {  	[tilespmem:s28+$0x40] =	vst v0;
	s13 =	rddreg [dreg:$0xf]  }
0x47: {  	[tilespmem:s28+$0x50] =	vst v0;
	s31 =	rddreg [dreg:$0x11]  }
0x48: {  	[tilespmem:s28+$0x60] =	vst v0;
	s15 =	rddreg [dreg:$0x12]  }
0x49: {  	[spmem:s13] =	stream.linear.scatter [tilespmem:s4], [sflag:$0x5], $0x1400, $0x38;
	[tilespmem:$0x1E280] =	vst v63  }
0x4a: {  	s25 =	rddreg [dreg:$0x13]  }
0x4b: {  	[spmem:s31] =	stream.linear.scatter [tilespmem:s4], [sflag:$0x5], $0x1400, $0x38;
	[tilespmem:$0x1E280] =	vst v63  }
0x4c: {  	s31 =	rddreg [dreg:$0x14]  }
0x4d: {  	[spmem:s15] =	stream.linear.scatter [tilespmem:s4], [sflag:$0x5], $0x1400, $0x38;
	[tilespmem:$0x1E280] =	vst v63  }
0x4e: {  	s15 =	rddreg [dreg:$0x15]  }
0x4f: {  	[spmem:s25] =	stream.linear.scatter [tilespmem:s4], [sflag:$0x5], $0x1400, $0x38;
	[tilespmem:$0x1E280] =	vst v63  }
0x50: {  	s25 =	rddreg [dreg:$0x1c]  }
0x51: {  	[spmem:s31] =	stream.linear.scatter [tilespmem:s4], [sflag:$0x5], $0x1400, $0x38;
	[tilespmem:$0x1E280] =	vst v63  }
0x52: {  	s31 =	rddreg [dreg:$0x1d]  }
0x53: {  	[spmem:s15] =	stream.linear.scatter [tilespmem:s4], [sflag:$0x5], $0x1400, $0x38;
	[tilespmem:$0x1E280] =	vst v63  }
0x54: {  	s15 =	rddreg [dreg:$0x1e]  }
0x55: {  	[spmem:s25] =	stream.linear.scatter [tilespmem:s4], [sflag:$0x5], $0x1400, $0x38;
	[tilespmem:$0x1E280] =	vst v63  }
0x56: {  	s25 =	rddreg [dreg:$0x1f]  }
0x57: {  	[spmem:s31] =	stream.linear.scatter [tilespmem:s4], [sflag:$0x5], $0x1400, $0x38;
	[tilespmem:$0x1E280] =	vst v63  }
0x58: {  	s31 =	sld [smem:$0x7FB]  }
0x59: {  	[spmem:s15] =	stream.linear.scatter [tilespmem:s4], [sflag:$0x5], $0x1400, $0x38;
	[tilespmem:$0x1E280] =	vst v63  }
0x5a: {  	s15 =	sld [smem:$0x7FD]  }
0x5b: {  	[spmem:s25] =	stream.linear.scatter [tilespmem:s4], [sflag:$0x5], $0x1400, $0x38;
	[tilespmem:$0x1E280] =	vst v63  }
0x5c: {  	s13 =	simm.s32 @!p1 $0x0;
	p2 =	seq.s32 s31, $0x1  }
0x5d: {  	[spmem:s15] =	stream.linear.scatter @!p1 [tilespmem:s13], [sflag:$0x5], $0x1400, $0x38;
	[tilespmem:$0x1E280] =	vst v63  }
0x5e: {  	s13 =	simm.s32 @!p2 $0x0;
	s15 =	rddreg [dreg:$0x16]  }
0x5f: {  	[spmem:s15] =	stream.linear.scatter @!p2 [tilespmem:s13], [sflag:$0x5], $0x1400, $0x38;
	[tilespmem:$0x1E280] =	vst v63  }
0x60: {  	s15 =	sld [smem:$0x7FC];
	_ =	sdelay $0x2  }
0x61: {  	p2 =	seq.s32 s15, $0x1  }
0x62: {  	s15 =	rddreg [dreg:$0x17];
	s13 =	simm.s32 @!p2 $0x0  }
0x63: {  	[spmem:s15] =	stream.linear.scatter @!p2 [tilespmem:s13], [sflag:$0x5], $0x1400, $0x38;
	[tilespmem:$0x1E280] =	vst v63  }
0x64: {  	s13 =	simm.s32 @!p4 $0x0;
	s15 =	rddreg [dreg:$0x18]  }
0x65: {  	[spmem:s15] =	stream.linear.scatter @!p4 [tilespmem:s13], [sflag:$0x5], $0x1400, $0x38;
	[tilespmem:$0x1E280] =	vst v63  }
0x66: {  	s13 =	simm.s32 @!p5 $0x0;
	s15 =	rddreg [dreg:$0x19]  }
0x67: {  	[spmem:s15] =	stream.linear.scatter @!p5 [tilespmem:s13], [sflag:$0x5], $0x1400, $0x38;
	[tilespmem:$0x1E280] =	vst v63  }
0x68: {  	s13 =	simm.s32 @!p6 $0x0;
	s15 =	rddreg [dreg:$0x1a]  }
0x69: {  	[spmem:s15] =	stream.linear.scatter @!p6 [tilespmem:s13], [sflag:$0x5], $0x1400, $0x38;
	[tilespmem:$0x1E280] =	vst v63  }
0x6a: {  	_ =	swait.ge [sflag:s1], $0x1400  }
0x6b: {  	[sflag:s1] =	ssyncset.done $0x0  }
0x6c: {  	[sflag:s1] =	ssyncadd.s32 $0xFFFFEC00  }
0x6d: {  	_ =	swait.ge [sflag:s1], $0x1400  }
0x6e: {  	[sflag:s1] =	ssyncset.done $0x0  }
0x6f: {  	[sflag:s1] =	ssyncadd.s32 $0xFFFFEC00  }
0x70: {  	_ =	swait.ge [sflag:s1], $0x1400  }
0x71: {  	[sflag:s1] =	ssyncset.done $0x0  }
0x72: {  	[sflag:s1] =	ssyncadd.s32 $0xFFFFEC00  }
0x73: {  	_ =	swait.ge [sflag:s1], $0x1400  }
0x74: {  	[sflag:s1] =	ssyncset.done $0x0  }
0x75: {  	[sflag:s1] =	ssyncadd.s32 $0xFFFFEC00  }
0x76: {  	_ =	swait.ge [sflag:s1], $0x1400  }
0x77: {  	[sflag:s1] =	ssyncset.done $0x0  }
0x78: {  	[sflag:s1] =	ssyncadd.s32 $0xFFFFEC00  }
0x79: {  	_ =	swait.ge [sflag:s1], $0x1400  }
0x7a: {  	[sflag:s1] =	ssyncset.done $0x0  }
0x7b: {  	[sflag:s1] =	ssyncadd.s32 $0xFFFFEC00  }
0x7c: {  	_ =	swait.ge [sflag:s1], $0x1400  }
0x7d: {  	[sflag:s1] =	ssyncset.done $0x0  }
0x7e: {  	[sflag:s1] =	ssyncadd.s32 $0xFFFFEC00  }
0x7f: {  	_ =	swait.ge [sflag:s1], $0x1400  }
0x80: {  	[sflag:s1] =	ssyncset.done $0x0  }
0x81: {  	[sflag:s1] =	ssyncadd.s32 $0xFFFFEC00  }
0x82: {  	_ =	swait.ge [sflag:s1], $0x1400  }
0x83: {  	[sflag:s1] =	ssyncset.done $0x0  }
0x84: {  	[sflag:s1] =	ssyncadd.s32 $0xFFFFEC00  }
0x85: {  	_ =	swait.ge [sflag:s1], $0x1400  }
0x86: {  	[sflag:s1] =	ssyncset.done $0x0  }
0x87: {  	s13 =	simm.s32 @!p1 $0x5;
	[sflag:s1] =	ssyncadd.s32 $0xFFFFEC00  }
0x88: {  	_ =	swait.ge @!p1 [sflag:s13], $0x1400  }
0x89: {  	[sflag:s13] =	ssyncset.done @!p1 $0x0  }
0x8a: {  	[sflag:s13] =	ssyncadd.s32 @!p1 $0xFFFFEC00  }
0x8b: {  	_ =	swait.ge @!p1 [sflag:s13], $0x1400  }
0x8c: {  	[sflag:s13] =	ssyncset.done @!p1 $0x0  }
0x8d: {  	[sflag:s13] =	ssyncadd.s32 @!p1 $0xFFFFEC00  }
0x8e: {  	_ =	swait.ge @!p1 [sflag:s13], $0x1400  }
0x8f: {  	[sflag:s13] =	ssyncset.done @!p1 $0x0  }
0x90: {  	[sflag:s13] =	ssyncadd.s32 @!p1 $0xFFFFEC00  }
0x91: {  	_ =	swait.ge @!p1 [sflag:s13], $0x1400  }
0x92: {  	[sflag:s13] =	ssyncset.done @!p1 $0x0  }
0x93: {  	[sflag:s13] =	ssyncadd.s32 @!p1 $0xFFFFEC00  }
0x94: {  	_ =	swait.ge @!p1 [sflag:s13], $0x1400  }
0x95: {  	[sflag:s13] =	ssyncset.done @!p1 $0x0  }
0x96: {  	[sflag:s13] =	ssyncadd.s32 @!p1 $0xFFFFEC00  }
0x97: {  	_ =	swait.ge @!p1 [sflag:s13], $0x1400  }
0x98: {  	[sflag:s13] =	ssyncset.done @!p1 $0x0  }
0x99: {  	[sflag:s13] =	ssyncadd.s32 @!p1 $0xFFFFEC00;
	s13 =	simm.s32 @p0 $0x1  }
0x9a: {  	_ =	swait.ge @p0 [sflag:s13], $0xA00  }
0x9b: {  	[sflag:s13] =	ssyncset.done @p0 $0x0  }
0x9c: {  	[sflag:s13] =	ssyncadd.s32 @p0 $0xFFFFF600;
	s13 =	simm.s32 @!p0 $0x1  }
0x9d: {  	_ =	swait.ge @!p0 [sflag:s13], $0x2800  }
0x9e: {  	[sflag:s13] =	ssyncset.done @!p0 $0x0  }
0x9f: {  	[sflag:s13] =	ssyncadd.s32 @!p0 $0xFFFFD800  }
0xa0: {  	s28 =	simm.s32 $0x0;
	s25 =	simm.s32 $0x8000;
	[bflag:$0x0] =	sbarrier.arrive $0xFFFF  }
0xa1: {  	[tilespmem:s28], [sflag:$0x1] =	stream.indirect.gather [hbm4b:s2+s6], $0x80, s25, s6, $0xb8;
	[tilespmem:$0x1E280] =	vst v63  }
0xa2: {  	s31 =	rddreg [dreg:$0xa]  }
0xa3: {  	[tilespmem:s8], [sflag:$0x5] =	stream.linear.gather [hbm4b:s31+s28], $0x40, $0x38;
	[tilespmem:$0x1E280] =	vst v63  }
0xa4: {  	s15 =	simm.s32 $0x8040  }
0xa5: {  	[tilespmem:s10], [sflag:$0x2] =	stream.indirect.gather [hbm4b:s2+s6], $0x80, s15, s6, $0xb8;
	[tilespmem:$0x1E280] =	vst v63  }
0xa6: {  	s25 =	rddreg [dreg:$0xc]  }
0xa7: {  	[tilespmem:s11], [sflag:$0x6] =	stream.linear.gather [hbm4b:s25+s28], $0x40, $0x38;
	[tilespmem:$0x1E280] =	vst v63  }
0xa8: {  	s31 =	simm.s32 $0x8080  }
0xa9: {  	[tilespmem:s12], [sflag:$0x3] =	stream.indirect.gather [hbm4b:s2+s6], $0x80, s31, s6, $0xb8;
	[tilespmem:$0x1E280] =	vst v63  }
0xaa: {  	s15 =	rddreg [dreg:$0xd]  }
0xab: {  	[tilespmem:s14], [sflag:$0x7] =	stream.linear.gather [hbm4b:s15+s28], $0x40, $0x38;
	[tilespmem:$0x1E280] =	vst v63  }
0xac: {  	s25 =	simm.s32 $0x80C0  }
0xad: {  	[tilespmem:s16], [sflag:$0x4] =	stream.indirect.gather [hbm4b:s2+s6], $0x80, s25, s6, $0xb8;
	[tilespmem:$0x1E280] =	vst v63  }
0xae: {  	s29 =	simm.s32 $0x8100;
	s30 =	simm.s32 $0x4;
	s31 =	rddreg [dreg:$0xe]  }
0xaf: {  	[tilespmem:s17], [sflag:$0x8] =	stream.linear.gather [hbm4b:s31+s28], $0x40, $0x38;
	[tilespmem:$0x1E280] =	vst v63  }
.LBB2_4:
0xb0: {  	_ =	swait.ge [sflag:s18], $0x2000  }
0xb1: {  	[sflag:s18] =	ssyncset.done $0x0  }
0xb2: {  	[sflag:s18] =	ssyncadd.s32 $0xFFFFE000  }
0xb3: {  	_ =	swait.ge [sflag:s1], $0x40  }
0xb4: {  	[sflag:s1] =	ssyncset.done $0x0  }
0xb5: {  	[sflag:s1] =	ssyncadd.s32 $0xFFFFFFC0  }
0xb6: {  	[spmem:s3] =	stream.indirect.scatter.add.f32 [tilespmem:s4], [sflag:$0x9], $0x80, s8, s6, $0xb8;
	[tilespmem:$0x1E280] =	vst v63  }
0xb7: {  	p2 =	sge.u32 s30, s5;
	_ =	swait.ge [sflag:s7], $0x2000  }
0xb8: {  	s15 =	simm.s32 @!p2 $0x40;
	[sflag:s7] =	ssyncset.done $0x0  }
0xb9: {  	s25 =	simm.s32 @!p2 $0x0;
	s13 =	rddreg [dreg:$0x5];
	[sflag:s7] =	ssyncadd.s32 $0xFFFFE000  }
0xba: {  	[tilespmem:s25], [sflag:$0x1] =	stream.indirect.gather @!p2 [hbm4b:s2+s15], $0x80, s29, s15, $0xb8;
	[tilespmem:$0x1E280] =	vst v63  }
0xbb: {  	s13 =	sadd.s32 @!p2 s28, s13;
	s15 =	simm.s32 @!p2 $0xA800  }
0xbc: {  	[tilespmem:s15], [sflag:$0x5] =	stream.linear.gather @!p2 [hbm4b:s13+s25], $0x40, $0x38;
	[tilespmem:$0x1E280] =	vst v63  }
0xbd: {  	_ =	swait.ge [sflag:s19], $0x2000  }
0xbe: {  	[sflag:s19] =	ssyncset.done $0x0  }
0xbf: {  	[sflag:s19] =	ssyncadd.s32 $0xFFFFE000  }
0xc0: {  	_ =	swait.ge [sflag:s20], $0x40  }
0xc1: {  	[sflag:s20] =	ssyncset.done $0x0  }
0xc2: {  	s15 =	sadd.s32 $0x1, s30;
	[sflag:s20] =	ssyncadd.s32 $0xFFFFFFC0  }
0xc3: {  	[spmem:s3] =	stream.indirect.scatter.add.f32 [tilespmem:s10], [sflag:$0x9], $0x80, s11, s6, $0xb8;
	[tilespmem:$0x1E280] =	vst v63  }
0xc4: {  	p2 =	sge.u32 s15, s5;
	_ =	swait.ge [sflag:s7], $0x2000  }
0xc5: {  	s15 =	sadd.s32 @!p2 $0x40, s29;
	s25 =	simm.s32 @!p2 $0x40;
	[sflag:s7] =	ssyncset.done $0x0  }
0xc6: {  	s31 =	simm.s32 @!p2 $0x2000;
	s13 =	rddreg [dreg:$0x6];
	[sflag:s7] =	ssyncadd.s32 $0xFFFFE000  }
0xc7: {  	[tilespmem:s31], [sflag:$0x2] =	stream.indirect.gather @!p2 [hbm4b:s2+s25], $0x80, s15, s25, $0xb8;
	[tilespmem:$0x1E280] =	vst v63  }
0xc8: {  	s13 =	sadd.s32 @!p2 s28, s13;
	s15 =	simm.s32 @!p2 $0x0;
	s25 =	simm.s32 @!p2 $0xA880  }
0xc9: {  	[tilespmem:s25], [sflag:$0x6] =	stream.linear.gather @!p2 [hbm4b:s13+s15], $0x40, $0x38;
	[tilespmem:$0x1E280] =	vst v63  }
0xca: {  	_ =	swait.ge [sflag:s21], $0x2000  }
0xcb: {  	[sflag:s21] =	ssyncset.done $0x0  }
0xcc: {  	[sflag:s21] =	ssyncadd.s32 $0xFFFFE000  }
0xcd: {  	_ =	swait.ge [sflag:s22], $0x40  }
0xce: {  	[sflag:s22] =	ssyncset.done $0x0  }
0xcf: {  	s25 =	sadd.s32 $0x2, s30;
	[sflag:s22] =	ssyncadd.s32 $0xFFFFFFC0  }
0xd0: {  	[spmem:s3] =	stream.indirect.scatter.add.f32 [tilespmem:s12], [sflag:$0x9], $0x80, s14, s6, $0xb8;
	[tilespmem:$0x1E280] =	vst v63  }
0xd1: {  	p2 =	sge.u32 s25, s5;
	_ =	swait.ge [sflag:s7], $0x2000  }
0xd2: {  	s15 =	sadd.s32 @!p2 $0x80, s29;
	s25 =	simm.s32 @!p2 $0x40;
	[sflag:s7] =	ssyncset.done $0x0  }
0xd3: {  	s31 =	simm.s32 @!p2 $0x4000;
	s13 =	rddreg [dreg:$0x7];
	[sflag:s7] =	ssyncadd.s32 $0xFFFFE000  }
0xd4: {  	[tilespmem:s31], [sflag:$0x3] =	stream.indirect.gather @!p2 [hbm4b:s2+s25], $0x80, s15, s25, $0xb8;
	[tilespmem:$0x1E280] =	vst v63  }
0xd5: {  	s13 =	sadd.s32 @!p2 s28, s13;
	s15 =	simm.s32 @!p2 $0x0;
	s25 =	simm.s32 @!p2 $0xA900  }
0xd6: {  	[tilespmem:s25], [sflag:$0x7] =	stream.linear.gather @!p2 [hbm4b:s13+s15], $0x40, $0x38;
	[tilespmem:$0x1E280] =	vst v63  }
0xd7: {  	_ =	swait.ge [sflag:s23], $0x2000  }
0xd8: {  	[sflag:s23] =	ssyncset.done $0x0  }
0xd9: {  	[sflag:s23] =	ssyncadd.s32 $0xFFFFE000  }
0xda: {  	_ =	swait.ge [sflag:s24], $0x40  }
0xdb: {  	s31 =	sadd.s32 $0x3, s30;
	[sflag:s24] =	ssyncset.done $0x0  }
0xdc: {  	p2 =	sge.u32 s31, s5;
	[sflag:s24] =	ssyncadd.s32 $0xFFFFFFC0  }
0xdd: {  	[spmem:s3] =	stream.indirect.scatter.add.f32 [tilespmem:s16], [sflag:$0x9], $0x80, s17, s6, $0xb8;
	[tilespmem:$0x1E280] =	vst v63  }
0xde: {  	s15 =	sadd.s32 @!p2 $0xC0, s29;
	s25 =	simm.s32 @!p2 $0x40;
	_ =	swait.ge [sflag:s7], $0x2000  }
0xdf: {  	s31 =	simm.s32 @!p2 $0x6000;
	[sflag:s7] =	ssyncset.done $0x0;
	s13 =	rddreg [dreg:$0x8]  }
0xe0: {  	[sflag:s7] =	ssyncadd.s32 $0xFFFFE000;
	s13 =	sadd.s32 @!p2 s28, s13;
	s28 =	sadd.s32 $0x20, s28  }
0xe1: {  	[tilespmem:s31], [sflag:$0x4] =	stream.indirect.gather @!p2 [hbm4b:s2+s25], $0x80, s15, s25, $0xb8;
	[tilespmem:$0x1E280] =	vst v63  }
0xe2: {  	s15 =	simm.s32 @!p2 $0x0;
	s25 =	simm.s32 @!p2 $0xA980;
	s31 =	rddreg [dreg:$0x4]  }
0xe3: {  	[tilespmem:s25], [sflag:$0x8] =	stream.linear.gather @!p2 [hbm4b:s13+s15], $0x40, $0x38;
	[tilespmem:$0x1E280] =	vst v63  }
0xe4: {  	p2 =	sne.s32 s31, s28  }
.Ltmp1:
0xe5: {  	_ = 	snop;
	(pc) =	sbr.rel @p2 .LBB2_4-.Ltmp1, $2  }
0xe6: {  	_ =	sdelay $0x2  }
0xe7: {  	s30 =	sadd.s32 $0x4, s30;
	s29 =	sadd.s32 $0x100, s29  }
0xe8: {  	s13 =	sadd.s32 $0x0, s9  }
0xe9: {  	[bflag:$0x0] =	sbarrier.arrive $0xFFFF;
	p2 =	sgt.u32 s13, $0xF9  }
0xea: {  	s25 =	rddreg [dreg:$0x1b];
	s13 =	sshll.u32 @!p2 s0, $0x6  }
0xeb: {  	s28 =	simm.s32 $0x1;
	s15 =	sor.u32 @!p2 $0x1C05, s13;
	s13 =	rddreg [dreg:$0xf]  }
0xec: {  	s30 =	rddreg [dreg:$0x11];
	s29 =	sadd.s32 $0x280, s25;
	s13 =	sshrl.u32 @!p2 s13, $0x3  }
.LBB2_6:
0xed: {  	[hbm:s25], [sflag:s15] =	dma.local @!p2 [spmem:s13], $0x280  }
0xee: {  	s13 =	smov.u32 s28;
	s28 =	sadd.s32 $0x1, s28  }
0xef: {  	p3 =	sne.s32 s28, $0x10  }
.Ltmp2:
0xf0: {  	(pc) =	sbr.rel @p3 .LBB2_6-.Ltmp2, $4  }
0xf1: {  	s31 =	smov.u32 s30;
	s13 =	sadd.s32 s13, s9  }
0xf2: {  	s25 =	smov.u32 s29;
	p2 =	sgt.u32 s13, $0xF9  }
0xf3: {  	s30 =	sadd.s32 $0x1400, s30;
	s13 =	sshll.u32 @!p2 s0, $0x6  }
0xf4: {  	s29 =	sadd.s32 $0x280, s29;
	s15 =	sor.u32 @!p2 $0x1C05, s13;
	s13 =	sshrl.u32 @!p2 s31, $0x3  }
0xf5: {  	[hbm:s25], [sflag:s15] =	dma.local @!p2 [spmem:s13], $0x280  }
0xf6: {  	_ =	swait.ge [sflag:s1], $0x280  }
0xf7: {  	[sflag:s1] =	ssyncset.done $0x0  }
0xf8: {  	[sflag:s1] =	ssyncadd.s32 $0xFFFFFD80  }
0xf9: {  	_ =	swait.ge [sflag:s1], $0x280  }
0xfa: {  	[sflag:s1] =	ssyncset.done $0x0  }
0xfb: {  	[sflag:s1] =	ssyncadd.s32 $0xFFFFFD80  }
0xfc: {  	_ =	swait.ge [sflag:s1], $0x280  }
0xfd: {  	[sflag:s1] =	ssyncset.done $0x0  }
0xfe: {  	[sflag:s1] =	ssyncadd.s32 $0xFFFFFD80  }
0xff: {  	_ =	swait.ge [sflag:s1], $0x280  }
0x100: {  	[sflag:s1] =	ssyncset.done $0x0  }
0x101: {  	[sflag:s1] =	ssyncadd.s32 $0xFFFFFD80  }
0x102: {  	_ =	swait.ge [sflag:s1], $0x280  }
0x103: {  	[sflag:s1] =	ssyncset.done $0x0  }
0x104: {  	[sflag:s1] =	ssyncadd.s32 $0xFFFFFD80  }
0x105: {  	_ =	swait.ge [sflag:s1], $0x280  }
0x106: {  	[sflag:s1] =	ssyncset.done $0x0  }
0x107: {  	[sflag:s1] =	ssyncadd.s32 $0xFFFFFD80  }
0x108: {  	_ =	swait.ge [sflag:s1], $0x280  }
0x109: {  	[sflag:s1] =	ssyncset.done $0x0  }
0x10a: {  	[sflag:s1] =	ssyncadd.s32 $0xFFFFFD80  }
0x10b: {  	_ =	swait.ge [sflag:s1], $0x280  }
0x10c: {  	[sflag:s1] =	ssyncset.done $0x0  }
0x10d: {  	[sflag:s1] =	ssyncadd.s32 $0xFFFFFD80  }
0x10e: {  	_ =	swait.ge [sflag:s1], $0x280  }
0x10f: {  	[sflag:s1] =	ssyncset.done $0x0  }
0x110: {  	[sflag:s1] =	ssyncadd.s32 $0xFFFFFD80  }
0x111: {  	_ =	swait.ge [sflag:s1], $0x280  }
0x112: {  	[sflag:s1] =	ssyncset.done $0x0  }
0x113: {  	s13 =	simm.s32 @!p1 $0x5;
	[sflag:s1] =	ssyncadd.s32 $0xFFFFFD80  }
0x114: {  	_ =	swait.ge @!p1 [sflag:s13], $0x280  }
0x115: {  	[sflag:s13] =	ssyncset.done @!p1 $0x0  }
0x116: {  	[sflag:s13] =	ssyncadd.s32 @!p1 $0xFFFFFD80  }
0x117: {  	_ =	swait.ge @!p1 [sflag:s13], $0x280  }
0x118: {  	[sflag:s13] =	ssyncset.done @!p1 $0x0  }
0x119: {  	[sflag:s13] =	ssyncadd.s32 @!p1 $0xFFFFFD80  }
0x11a: {  	_ =	swait.ge @!p1 [sflag:s13], $0x280  }
0x11b: {  	[sflag:s13] =	ssyncset.done @!p1 $0x0  }
0x11c: {  	[sflag:s13] =	ssyncadd.s32 @!p1 $0xFFFFFD80  }
0x11d: {  	_ =	swait.ge @!p1 [sflag:s13], $0x280  }
0x11e: {  	[sflag:s13] =	ssyncset.done @!p1 $0x0  }
0x11f: {  	[sflag:s13] =	ssyncadd.s32 @!p1 $0xFFFFFD80  }
0x120: {  	_ =	swait.ge @!p1 [sflag:s13], $0x280  }
0x121: {  	[sflag:s13] =	ssyncset.done @!p1 $0x0  }
0x122: {  	[sflag:s13] =	ssyncadd.s32 @!p1 $0xFFFFFD80  }
0x123: {  	_ =	swait.ge @!p1 [sflag:s13], $0x280  }
0x124: {  	s26 =	sadd.s32 $0x1, s26;
	s31 =	rddreg [dreg:$0x10]  }
0x125: {  	p2 =	sne.s32 s26, s31  }
.Ltmp3:
0x126: {  	_ = 	snop;
	(pc) =	sbr.rel @p2 .LBB2_1-.Ltmp3, $3  }
0x127: {  	_ =	sdelay $0x1  }
0x128: {  	[sflag:s13] =	ssyncset.done @!p1 $0x0  }
0x129: {  	[sflag:s13] =	ssyncadd.s32 @!p1 $0xFFFFFD80  }
0x12a: {  	_ =	sfence.sel $0x180000  }
0x12b: {  	[bflag:$0x0] =	sbarrier.arrive $0xFFFF  }
0x12c: {  	_ =	strace $0x90000047  }
0x12d: {  	[bflag:$0x2] =	sbarrier.arrive $0xFFFF  }
0x12e: {  	p0 =	sne.s32 s0, $0x0;
	s0 =	rddreg [dreg:$0x3]  }
0x12f: {  	s0 =	sadd.s32 @!p0 $0x100000, s0  }
0x130: {  	[sflag:s0] =	ssyncadd.tile.s32 @!p0 $0x1;
	_ =	shalt  }
.Lfunc_end2:
_tile_overlayer_lowered:
.L_overlay_start_2:
0x131: {  	(tag) =	ssettag $0x2  }
0x132: {  	s0 =	rddreg [dreg:$0x0];
	s2 =	stileid.u32  }
0x133: {  	s1 =	rddreg [dreg:$0x1];
	p0 =	sne.s32 s2, $0x0  }
0x134: {  	s3 =	rddreg [dreg:$0x2];
	[bflag:$0x3] =	sbarrier.arrive $0xFFFF;
	s2 =	simm.s32 @!p0 $0x1C09  }
0x135: {  	[timem:s3], [sflag:s2] =	dma.local @!p0 [hbm:s0], s1  }
0x136: {  	s0 =	simm.s32 @!p0 $0x9  }
0x137: {  	_ =	swait.ge @!p0 [sflag:s0], s1  }
0x138: {  	s1 =	ssub.s32 @!p0 $0x0, s1;
	[sflag:s0] =	ssyncset.done @!p0 $0x0  }
0x139: {  	[sflag:s0] =	ssyncadd.s32 @!p0 s1  }
0x13a: {  	[bflag:$0x3] =	sbarrier.arrive $0xFFFF  }
0x13b: {  	_ =	shalt  }

</sc_bundles>
